<compile_context>
chip_gen: v7x
topology: tpu7x:2x2x1
jax: 0.10.2.dev20260603
libtpu: 0.0.44.dev20260713+nightly
codegen_flags: <defaults>
</compile_context>

<pallas_src>
import functools

import jax
import jax.numpy as jnp
from jax import lax
from jax.experimental import pallas as pl
from jax.experimental.pallas import tpu as pltpu
from jax.experimental.pallas import tpu_sc as plsc

NN = 10000
NE = 320000
FD = 128

NC = 2
NS = 16
NW = NC * NS
CHUNK = 128
CPT = 80
EPAD = NW * CPT * CHUNK
RPT = 640
NPAD = NS * RPT
CH_TOT = EPAD // CHUNK
C0_CHUNKS = 128
C1_CHUNKS = 32
C0_TOT = NS * C0_CHUNKS

BM = 2000



def _mm2_body(h_ref, wr_ref, wo_ref, b_ref, u_ref, v_ref):
    h = h_ref[...]
    dn = (((1,), (1,)), ((), ()))
    u_ref[...] = lax.dot_general(h, wr_ref[...], dn,
                                 preferred_element_type=jnp.float32)
    v_ref[...] = lax.dot_general(h, wo_ref[...], dn,
                                 preferred_element_type=jnp.float32) + b_ref[...]


def _comb_mm2_body(a0_ref, a1_ref, vp_ref, wr_ref, wo_ref, b_ref, u_ref, v_ref):
    h = jnp.maximum(a0_ref[...] + a1_ref[...] + vp_ref[...], 0.0)
    dn = (((1,), (1,)), ((), ()))
    u_ref[...] = lax.dot_general(h, wr_ref[...], dn,
                                 preferred_element_type=jnp.float32)
    v_ref[...] = lax.dot_general(h, wo_ref[...], dn,
                                 preferred_element_type=jnp.float32) + b_ref[...]


def _final_body(a0_ref, a1_ref, vp_ref, wl_ref, bl_ref, o_ref):
    t = a0_ref[...] + a1_ref[...] + vp_ref[...]
    dn = (((1,), (1,)), ((), ()))
    o_ref[...] = lax.dot_general(t, wl_ref[...], dn,
                                 preferred_element_type=jnp.float32) + bl_ref[...]


_row_spec = pl.BlockSpec((BM, FD), lambda i: (i, 0))
_w_spec = pl.BlockSpec((FD, FD), lambda i: (0, 0))
_b_spec = pl.BlockSpec((1, FD), lambda i: (0, 0))
_uv_shape = [jax.ShapeDtypeStruct((NN, FD), jnp.float32)] * 2

_mm2 = pl.pallas_call(
    _mm2_body,
    grid=(NN // BM,),
    in_specs=[_row_spec, _w_spec, _w_spec, _b_spec],
    out_specs=[_row_spec, _row_spec],
    out_shape=_uv_shape,
)

_comb_mm2 = pl.pallas_call(
    _comb_mm2_body,
    grid=(NN // BM,),
    in_specs=[_row_spec, _row_spec, _row_spec, _w_spec, _w_spec, _b_spec],
    out_specs=[_row_spec, _row_spec],
    out_shape=_uv_shape,
)

_final = pl.pallas_call(
    _final_body,
    grid=(NN // BM,),
    in_specs=[_row_spec, _row_spec, _row_spec, _w_spec, _b_spec],
    out_specs=_row_spec,
    out_shape=jax.ShapeDtypeStruct((NN, FD), jnp.float32),
)



_mesh = plsc.VectorSubcoreMesh(core_axis_name="c", subcore_axis_name="s")


PIECE = 32

@functools.partial(
    pl.kernel,
    mesh=_mesh,
    out_type=jax.ShapeDtypeStruct((NC, NPAD, FD), jnp.float32),
    scratch_types=[
        pltpu.VMEM((PIECE, CHUNK), jnp.int32),
        pltpu.VMEM((PIECE, CHUNK), jnp.int32),
        pltpu.VMEM((CHUNK, FD), jnp.float32),
        pltpu.VMEM((CHUNK, FD), jnp.float32),
        pltpu.VMEM_SHARED((NPAD, FD), jnp.float32),
        pltpu.SemaphoreType.DMA,
        pltpu.SemaphoreType.DMA,
    ],
)
def _sc_agg(src_hbm, dst_hbm, u_hbm, z_hbm, out_hbm,
            src_v, dst_v, rows0, rows1, acc_sh, sem0, sem1):
    c = lax.axis_index("c")
    s = lax.axis_index("s")
    rslc = pl.ds(s * RPT, RPT)

    pltpu.sync_copy(z_hbm, acc_sh.at[rslc])
    plsc.subcore_barrier()

    n_pieces = jnp.where(c == 0, C0_CHUNKS // PIECE, C1_CHUNKS // PIECE)
    tile_base = jnp.where(c == 0, s * C0_CHUNKS, C0_TOT + s * C1_CHUNKS)

    def piece_body(p, carry):
        cbase = tile_base + p * PIECE
        pltpu.sync_copy(src_hbm.at[pl.ds(cbase, PIECE)], src_v)
        pltpu.sync_copy(dst_hbm.at[pl.ds(cbase, PIECE)], dst_v)
        pltpu.async_copy(u_hbm.at[src_v.at[0]], rows0, sem0)

        def pair(i, inner):
            j = 2 * i
            pltpu.async_copy(u_hbm.at[src_v.at[j + 1]], rows1, sem1)
            pltpu.make_async_copy(u_hbm.at[src_v.at[j]], rows0, sem0).wait()
            pltpu.sync_copy(rows0, acc_sh.at[dst_v.at[j]], add=True)

            @pl.when(j + 2 < PIECE)
            def _():
                pltpu.async_copy(u_hbm.at[src_v.at[j + 2]], rows0, sem0)

            pltpu.make_async_copy(u_hbm.at[src_v.at[j + 1]], rows1, sem1).wait()
            pltpu.sync_copy(rows1, acc_sh.at[dst_v.at[j + 1]], add=True)
            return inner

        lax.fori_loop(0, PIECE // 2, pair, 0)
        return carry

    lax.fori_loop(0, n_pieces, piece_body, 0)

    plsc.subcore_barrier()
    pltpu.sync_copy(acc_sh.at[rslc], out_hbm.at[c].at[rslc])



def kernel(x, edge_index, W1_rel, b1_rel, W1_root, W2_rel, b2_rel, W2_root,
           W3_rel, b3_rel, W3_root, W_lin, b_lin):
    pad = EPAD - NE
    src_p = jnp.concatenate(
        [edge_index[0], jnp.zeros((pad,), jnp.int32)]).reshape(CH_TOT, CHUNK)
    dst_p = jnp.concatenate(
        [edge_index[1], jnp.full((pad,), NN, jnp.int32)]).reshape(CH_TOT, CHUNK)
    zrows = jnp.zeros((RPT, FD), jnp.float32)

    u, v = _mm2(x, W1_rel, W1_root, b1_rel.reshape(1, FD))
    agg = _sc_agg(src_p, dst_p, u, zrows)
    u, v = _comb_mm2(agg[0], agg[1], v, W2_rel, W2_root, b2_rel.reshape(1, FD))
    agg = _sc_agg(src_p, dst_p, u, zrows)
    u, v = _comb_mm2(agg[0], agg[1], v, W3_rel, W3_root, b3_rel.reshape(1, FD))
    agg = _sc_agg(src_p, dst_p, u, zrows)
    return _final(agg[0], agg[1], v, W_lin, b_lin.reshape(1, FD))

# --- scband reference (transcript-rebuilt; emitter-appended) ---
"""Pipeline reference for scband-tgcn-83047487635515 (READ-ONLY COPY).

The authoritative reference and input builder live on the scoring server;
editing this copy changes nothing except your own understanding.
"""

import jax, jax.numpy as jnp
import numpy as np

N = 10000
E = 320000
D = 128
H = 128
O = 128


def setup_inputs(seed: int = 0) -> dict:
    key = jax.random.key(seed)
    ks = jax.random.split(key, 16)
    x = jax.random.normal(ks[0], (N, D), dtype=jnp.float32)
    edge_index = jax.random.randint(ks[1], (2, E), 0, N, dtype=jnp.int32)
    s1 = 1.0 / np.sqrt(D)
    s2 = 1.0 / np.sqrt(H)
    W1_rel = jax.random.uniform(ks[2], (H, D), jnp.float32, -s1, s1)
    b1_rel = jax.random.uniform(ks[3], (H,), jnp.float32, -s1, s1)
    W1_root = jax.random.uniform(ks[4], (H, D), jnp.float32, -s1, s1)
    W2_rel = jax.random.uniform(ks[5], (H, H), jnp.float32, -s2, s2)
    b2_rel = jax.random.uniform(ks[6], (H,), jnp.float32, -s2, s2)
    W2_root = jax.random.uniform(ks[7], (H, H), jnp.float32, -s2, s2)
    W3_rel = jax.random.uniform(ks[8], (H, H), jnp.float32, -s2, s2)
    b3_rel = jax.random.uniform(ks[9], (H,), jnp.float32, -s2, s2)
    W3_root = jax.random.uniform(ks[10], (H, H), jnp.float32, -s2, s2)
    W_lin = jax.random.uniform(ks[11], (O, H), jnp.float32, -s2, s2)
    b_lin = jax.random.uniform(ks[12], (O,), jnp.float32, -s2, s2)
    return {
        "x": x, "edge_index": edge_index,
        "W1_rel": W1_rel, "b1_rel": b1_rel, "W1_root": W1_root,
        "W2_rel": W2_rel, "b2_rel": b2_rel, "W2_root": W2_root,
        "W3_rel": W3_rel, "b3_rel": b3_rel, "W3_root": W3_root,
        "W_lin": W_lin, "b_lin": b_lin,
    }


def _graph_conv(x, src, dst, W_rel, b_rel, W_root):
    # PyG GraphConv (aggr='add'): lin_rel(scatter_add(x[src] -> dst)) + lin_root(x)
    agg = jnp.zeros((N, x.shape[1]), dtype=x.dtype).at[dst].add(x[src])
    return agg @ W_rel.T + b_rel + x @ W_root.T


def reference(x, edge_index, W1_rel, b1_rel, W1_root, W2_rel, b2_rel, W2_root,
              W3_rel, b3_rel, W3_root, W_lin, b_lin):
    src = edge_index[0]
    dst = edge_index[1]
    h = _graph_conv(x, src, dst, W1_rel, b1_rel, W1_root)
    h = jax.nn.relu(h)
    h = _graph_conv(h, src, dst, W2_rel, b2_rel, W2_root)
    h = jax.nn.relu(h)
    h = _graph_conv(h, src, dst, W3_rel, b3_rel, W3_root)
    out = h @ W_lin.T + b_lin
    return out

if __name__ == "__main__":
    import jax
    _d = setup_inputs()
    print(jax.jit(kernel)(*tuple(_d.values())))

</pallas_src>

<mosaic_0001>
#map = affine_map<(d0, d1) -> (0, 0)>
#map1 = affine_map<(d0, d1) -> (0, 0, 0)>
module attributes {stable_mosaic.version = 14 : i64} {
  func.func @_sc_agg(%arg0: i32, %arg1: i32, %arg2: memref<2560x128xi32, #tpu.memory_space<hbm>>, %arg3: memref<2560x128xi32, #tpu.memory_space<hbm>>, %arg4: memref<10000x128xf32, #tpu.memory_space<hbm>>, %arg5: memref<640x128xf32, #tpu.memory_space<hbm>>, %arg6: memref<2x10240x128xf32, #tpu.memory_space<hbm>>, %arg7: memref<32x128xi32, #tpu.memory_space<vmem>>, %arg8: memref<32x128xi32, #tpu.memory_space<vmem>>, %arg9: memref<128x128xf32, #tpu.memory_space<vmem>>, %arg10: memref<128x128xf32, #tpu.memory_space<vmem>>, %arg11: memref<10240x128xf32, #tpu.memory_space<vmem_shared>>, %arg12: memref<!tpu.dma_semaphore, #tpu.memory_space<semaphore_mem>>, %arg13: memref<!tpu.dma_semaphore, #tpu.memory_space<semaphore_mem>>) attributes {dimension_semantics = [#tpu.dimension_semantics<core_parallel>, #tpu.dimension_semantics<subcore_parallel>], iteration_bounds = array<i64: 2, 16>, scalar_prefetch = 0 : i64, scratch_operands = 7 : i64, tpu.core_type = #tpu.core_type<sc_vector_subcore>, window_params = [{transform_indices = #map}, {transform_indices = #map}, {transform_indices = #map}, {transform_indices = #map}, {transform_indices = #map1}]} {
    %mul3A = arith.constant 640 : i32
    %mul3A_0 = arith.muli %arg1, %mul3A : i32
    "tpu.region"() ({
      %run_scoped3A = tpu.sem_alloc : memref<!tpu.dma_semaphore, #tpu.memory_space<semaphore_mem>>
      %dma_start3A = arith.constant 0 : i32
      %dma_start3A_21 = tpu.memref_slice %arg11[%mul3A_0, %dma_start3A] : memref<10240x128xf32, #tpu.memory_space<vmem_shared>> -> memref<640x128xf32, #tpu.memory_space<vmem_shared>>
      tpu.enqueue_dma source(%arg5 : memref<640x128xf32, #tpu.memory_space<hbm>>) target(%dma_start3A_21 : memref<640x128xf32, #tpu.memory_space<vmem_shared>>) target_semaphore(%run_scoped3A : memref<!tpu.dma_semaphore, #tpu.memory_space<semaphore_mem>>)
      %dma_wait3A = arith.constant 0 : i32
      %dma_wait3A_22 = tpu.memref_slice %arg11[%mul3A_0, %dma_wait3A] : memref<10240x128xf32, #tpu.memory_space<vmem_shared>> -> memref<640x128xf32, #tpu.memory_space<vmem_shared>>
      tpu.wait_dma2 semaphore(%run_scoped3A : memref<!tpu.dma_semaphore, #tpu.memory_space<semaphore_mem>>) src(%arg5 : memref<640x128xf32, #tpu.memory_space<hbm>>) dst(%dma_wait3A_22 : memref<640x128xf32, #tpu.memory_space<vmem_shared>>)
      tpu.yield
    }) : () -> ()
    %barrier3A = arith.constant 0 : index
    tpu.barrier barrier_id(%barrier3A)
    %eq3A = arith.constant 0 : i32
    %eq3A_1 = arith.cmpi eq, %arg0, %eq3A : i32
    %jit3A = arith.constant 4 : i32
    %jit3A_2 = arith.constant 1 : i32
    %select_n3A = arith.select %eq3A_1, %jit3A, %jit3A_2 : i32
    %eq3A_3 = arith.constant 0 : i32
    %eq3A_4 = arith.cmpi eq, %arg0, %eq3A_3 : i32
    %mul3A_5 = arith.constant 128 : i32
    %mul3A_6 = arith.muli %arg1, %mul3A_5 : i32
    %mul3A_7 = arith.constant 32 : i32
    %mul3A_8 = arith.muli %arg1, %mul3A_7 : i32
    %add3A = arith.constant 2048 : i32
    %add3A_9 = arith.addi %add3A, %mul3A_8 : i32
    %select_n3A_10 = arith.select %eq3A_4, %mul3A_6, %add3A_9 : i32
    %while3A = arith.constant 0 : i32
    %while3A_11 = arith.constant 0 : i32
    %while3A_12 = arith.subi %select_n3A, %while3A_11 : i32
    %while3A_13 = arith.addi %while3A_11, %while3A_12 : i32
    %while3A_14 = arith.constant 1 : i32
    %while3A_15 = arith.divsi %while3A_12, %while3A_14 : i32
    %while3A_16 = arith.muli %while3A_15, %while3A_14 : i32
    %while3A_17 = arith.addi %while3A_11, %while3A_16 : i32
    %while3A_18 = arith.constant 1 : i32
    scf.for %while3A_21 = %while3A_11 to %while3A_17 step %while3A_18  : i32 {
      %mul3A_22 = arith.constant 32 : i32
      %mul3A_23 = arith.muli %while3A_21, %mul3A_22 : i32
      %add3A_24 = arith.addi %select_n3A_10, %mul3A_23 : i32
      "tpu.region"() ({
        %run_scoped3A = tpu.sem_alloc : memref<!tpu.dma_semaphore, #tpu.memory_space<semaphore_mem>>
        %dma_start3A_36 = arith.constant 0 : i32
        %dma_start3A_37 = tpu.memref_slice %arg2[%add3A_24, %dma_start3A_36] : memref<2560x128xi32, #tpu.memory_space<hbm>> -> memref<32x128xi32, #tpu.memory_space<hbm>>
        %dma_start3A_38 = arith.constant 0 : i32
        %dma_start3A_39 = tpu.memref_slice %arg2[%add3A_24, %dma_start3A_38] : memref<2560x128xi32, #tpu.memory_space<hbm>> -> memref<32x128xi32, #tpu.memory_space<hbm>>
        tpu.enqueue_dma source(%dma_start3A_39 : memref<32x128xi32, #tpu.memory_space<hbm>>) target(%arg7 : memref<32x128xi32, #tpu.memory_space<vmem>>) target_semaphore(%run_scoped3A : memref<!tpu.dma_semaphore, #tpu.memory_space<semaphore_mem>>)
        %dma_wait3A = arith.constant 0 : i32
        %dma_wait3A_40 = tpu.memref_slice %arg2[%add3A_24, %dma_wait3A] : memref<2560x128xi32, #tpu.memory_space<hbm>> -> memref<32x128xi32, #tpu.memory_space<hbm>>
        %dma_wait3A_41 = arith.constant 0 : i32
        %dma_wait3A_42 = tpu.memref_slice %arg2[%add3A_24, %dma_wait3A_41] : memref<2560x128xi32, #tpu.memory_space<hbm>> -> memref<32x128xi32, #tpu.memory_space<hbm>>
        tpu.wait_dma2 semaphore(%run_scoped3A : memref<!tpu.dma_semaphore, #tpu.memory_space<semaphore_mem>>) src(%dma_wait3A_42 : memref<32x128xi32, #tpu.memory_space<hbm>>) dst(%arg7 : memref<32x128xi32, #tpu.memory_space<vmem>>)
        tpu.yield
      }) : () -> ()
      "tpu.region"() ({
        %run_scoped3A = tpu.sem_alloc : memref<!tpu.dma_semaphore, #tpu.memory_space<semaphore_mem>>
        %dma_start3A_36 = arith.constant 0 : i32
        %dma_start3A_37 = tpu.memref_slice %arg3[%add3A_24, %dma_start3A_36] : memref<2560x128xi32, #tpu.memory_space<hbm>> -> memref<32x128xi32, #tpu.memory_space<hbm>>
        %dma_start3A_38 = arith.constant 0 : i32
        %dma_start3A_39 = tpu.memref_slice %arg3[%add3A_24, %dma_start3A_38] : memref<2560x128xi32, #tpu.memory_space<hbm>> -> memref<32x128xi32, #tpu.memory_space<hbm>>
        tpu.enqueue_dma source(%dma_start3A_39 : memref<32x128xi32, #tpu.memory_space<hbm>>) target(%arg8 : memref<32x128xi32, #tpu.memory_space<vmem>>) target_semaphore(%run_scoped3A : memref<!tpu.dma_semaphore, #tpu.memory_space<semaphore_mem>>)
        %dma_wait3A = arith.constant 0 : i32
        %dma_wait3A_40 = tpu.memref_slice %arg3[%add3A_24, %dma_wait3A] : memref<2560x128xi32, #tpu.memory_space<hbm>> -> memref<32x128xi32, #tpu.memory_space<hbm>>
        %dma_wait3A_41 = arith.constant 0 : i32
        %dma_wait3A_42 = tpu.memref_slice %arg3[%add3A_24, %dma_wait3A_41] : memref<2560x128xi32, #tpu.memory_space<hbm>> -> memref<32x128xi32, #tpu.memory_space<hbm>>
        tpu.wait_dma2 semaphore(%run_scoped3A : memref<!tpu.dma_semaphore, #tpu.memory_space<semaphore_mem>>) src(%dma_wait3A_42 : memref<32x128xi32, #tpu.memory_space<hbm>>) dst(%arg8 : memref<32x128xi32, #tpu.memory_space<vmem>>)
        tpu.yield
      }) : () -> ()
      %dma_start3A = arith.constant 0 : i32
      %dma_start3A_25 = arith.constant 0 : i32
      %dma_start3A_26 = tpu.memref_slice %arg7[%dma_start3A, %dma_start3A_25] : memref<32x128xi32, #tpu.memory_space<vmem>> -> memref<1x128xi32, #tpu.memory_space<vmem>>
      %dma_start3A_27 = tpu.memref_squeeze %dma_start3A_26 : memref<1x128xi32, #tpu.memory_space<vmem>> -> memref<128xi32, #tpu.memory_space<vmem>>
      %dma_start3A_28 = arith.constant 0 : i32
      %dma_start3A_29 = arith.constant 0 : i32
      %dma_start3A_30 = tpu.memref_slice %arg4[%dma_start3A_28, %dma_start3A_29] : memref<10000x128xf32, #tpu.memory_space<hbm>> -> memref<10000x128xf32, #tpu.memory_space<hbm>>
      tpu.enqueue_indirect_dma source(%dma_start3A_30 : memref<10000x128xf32, #tpu.memory_space<hbm>>) target(%arg9 : memref<128x128xf32, #tpu.memory_space<vmem>>) offsets(%dma_start3A_27 : memref<128xi32, #tpu.memory_space<vmem>>) semaphore(%arg12 : memref<!tpu.dma_semaphore, #tpu.memory_space<semaphore_mem>>)
      %scan3A = arith.constant 0 : i32
      %scan3A_31 = arith.constant 0 : i32
      %scan3A_32 = arith.constant 16 : i32
      %scan3A_33 = arith.addi %scan3A_31, %scan3A_32 : i32
      %scan3A_34 = arith.constant 1 : i32
      scf.for %scan3A_36 = %scan3A_31 to %scan3A_33 step %scan3A_34  : i32 {
        %mul3A_37 = arith.constant 2 : i32
        %mul3A_38 = arith.muli %mul3A_37, %scan3A_36 : i32
        %add3A_39 = arith.constant 1 : i32
        %add3A_40 = arith.addi %mul3A_38, %add3A_39 : i32
        %dma_start3A_41 = arith.constant 0 : i32
        %dma_start3A_42 = tpu.memref_slice %arg7[%add3A_40, %dma_start3A_41] : memref<32x128xi32, #tpu.memory_space<vmem>> -> memref<1x128xi32, #tpu.memory_space<vmem>>
        %dma_start3A_43 = tpu.memref_squeeze %dma_start3A_42 : memref<1x128xi32, #tpu.memory_space<vmem>> -> memref<128xi32, #tpu.memory_space<vmem>>
        %dma_start3A_44 = arith.constant 0 : i32
        %dma_start3A_45 = arith.constant 0 : i32
        %dma_start3A_46 = tpu.memref_slice %arg4[%dma_start3A_44, %dma_start3A_45] : memref<10000x128xf32, #tpu.memory_space<hbm>> -> memref<10000x128xf32, #tpu.memory_space<hbm>>
        tpu.enqueue_indirect_dma source(%dma_start3A_46 : memref<10000x128xf32, #tpu.memory_space<hbm>>) target(%arg10 : memref<128x128xf32, #tpu.memory_space<vmem>>) offsets(%dma_start3A_43 : memref<128xi32, #tpu.memory_space<vmem>>) semaphore(%arg13 : memref<!tpu.dma_semaphore, #tpu.memory_space<semaphore_mem>>)
        %dma_wait3A = arith.constant 0 : i32
        %dma_wait3A_47 = tpu.memref_slice %arg7[%mul3A_38, %dma_wait3A] : memref<32x128xi32, #tpu.memory_space<vmem>> -> memref<1x128xi32, #tpu.memory_space<vmem>>
        %dma_wait3A_48 = tpu.memref_squeeze %dma_wait3A_47 : memref<1x128xi32, #tpu.memory_space<vmem>> -> memref<128xi32, #tpu.memory_space<vmem>>
        %dma_wait3A_49 = arith.constant 0 : i32
        %dma_wait3A_50 = arith.constant 0 : i32
        %dma_wait3A_51 = tpu.memref_slice %arg4[%dma_wait3A_49, %dma_wait3A_50] : memref<10000x128xf32, #tpu.memory_space<hbm>> -> memref<10000x128xf32, #tpu.memory_space<hbm>>
        tpu.wait_indirect_dma semaphore(%arg12 : memref<!tpu.dma_semaphore, #tpu.memory_space<semaphore_mem>>) src(%dma_wait3A_51 : memref<10000x128xf32, #tpu.memory_space<hbm>>) dst(%arg9 : memref<128x128xf32, #tpu.memory_space<vmem>>)
        "tpu.region"() ({
          %run_scoped3A = tpu.sem_alloc : memref<!tpu.dma_semaphore, #tpu.memory_space<semaphore_mem>>
          %dma_start3A_66 = arith.constant 0 : i32
          %dma_start3A_67 = tpu.memref_slice %arg8[%mul3A_38, %dma_start3A_66] : memref<32x128xi32, #tpu.memory_space<vmem>> -> memref<1x128xi32, #tpu.memory_space<vmem>>
          %dma_start3A_68 = tpu.memref_squeeze %dma_start3A_67 : memref<1x128xi32, #tpu.memory_space<vmem>> -> memref<128xi32, #tpu.memory_space<vmem>>
          %dma_start3A_69 = arith.constant 0 : i32
          %dma_start3A_70 = arith.constant 0 : i32
          %dma_start3A_71 = tpu.memref_slice %arg11[%dma_start3A_69, %dma_start3A_70] : memref<10240x128xf32, #tpu.memory_space<vmem_shared>> -> memref<10240x128xf32, #tpu.memory_space<vmem_shared>>
          tpu.enqueue_indirect_dma source(%arg9 : memref<128x128xf32, #tpu.memory_space<vmem>>) target(%dma_start3A_71 : memref<10240x128xf32, #tpu.memory_space<vmem_shared>>) offsets(%dma_start3A_68 : memref<128xi32, #tpu.memory_space<vmem>>) semaphore(%run_scoped3A : memref<!tpu.dma_semaphore, #tpu.memory_space<semaphore_mem>>) {add = true}
          %dma_wait3A_72 = arith.constant 0 : i32
          %dma_wait3A_73 = tpu.memref_slice %arg8[%mul3A_38, %dma_wait3A_72] : memref<32x128xi32, #tpu.memory_space<vmem>> -> memref<1x128xi32, #tpu.memory_space<vmem>>
          %dma_wait3A_74 = tpu.memref_squeeze %dma_wait3A_73 : memref<1x128xi32, #tpu.memory_space<vmem>> -> memref<128xi32, #tpu.memory_space<vmem>>
          %dma_wait3A_75 = arith.constant 0 : i32
          %dma_wait3A_76 = arith.constant 0 : i32
          %dma_wait3A_77 = tpu.memref_slice %arg11[%dma_wait3A_75, %dma_wait3A_76] : memref<10240x128xf32, #tpu.memory_space<vmem_shared>> -> memref<10240x128xf32, #tpu.memory_space<vmem_shared>>
          tpu.wait_indirect_dma semaphore(%run_scoped3A : memref<!tpu.dma_semaphore, #tpu.memory_space<semaphore_mem>>) src(%arg9 : memref<128x128xf32, #tpu.memory_space<vmem>>) dst(%dma_wait3A_77 : memref<10240x128xf32, #tpu.memory_space<vmem_shared>>)
          tpu.yield
        }) : () -> ()
        %add3A_52 = arith.constant 2 : i32
        %add3A_53 = arith.addi %mul3A_38, %add3A_52 : i32
        %lt3A = arith.constant 32 : i32
        %lt3A_54 = arith.cmpi slt, %add3A_53, %lt3A : i32
        %convert_element_type3A = arith.extui %lt3A_54 : i1 to i32
        %cond3A = arith.constant 0 : i32
        %cond3A_55 = arith.cmpi ne, %convert_element_type3A, %cond3A : i32
        scf.if %cond3A_55 {
          %add3A_66 = arith.constant 2 : i32
          %add3A_67 = arith.addi %mul3A_38, %add3A_66 : i32
          %dma_start3A_68 = arith.constant 0 : i32
          %dma_start3A_69 = tpu.memref_slice %arg7[%add3A_67, %dma_start3A_68] : memref<32x128xi32, #tpu.memory_space<vmem>> -> memref<1x128xi32, #tpu.memory_space<vmem>>
          %dma_start3A_70 = tpu.memref_squeeze %dma_start3A_69 : memref<1x128xi32, #tpu.memory_space<vmem>> -> memref<128xi32, #tpu.memory_space<vmem>>
          %dma_start3A_71 = arith.constant 0 : i32
          %dma_start3A_72 = arith.constant 0 : i32
          %dma_start3A_73 = tpu.memref_slice %arg4[%dma_start3A_71, %dma_start3A_72] : memref<10000x128xf32, #tpu.memory_space<hbm>> -> memref<10000x128xf32, #tpu.memory_space<hbm>>
          tpu.enqueue_indirect_dma source(%dma_start3A_73 : memref<10000x128xf32, #tpu.memory_space<hbm>>) target(%arg9 : memref<128x128xf32, #tpu.memory_space<vmem>>) offsets(%dma_start3A_70 : memref<128xi32, #tpu.memory_space<vmem>>) semaphore(%arg12 : memref<!tpu.dma_semaphore, #tpu.memory_space<semaphore_mem>>)
        } else {
        }
        %add3A_56 = arith.constant 1 : i32
        %add3A_57 = arith.addi %mul3A_38, %add3A_56 : i32
        %dma_wait3A_58 = arith.constant 0 : i32
        %dma_wait3A_59 = tpu.memref_slice %arg7[%add3A_57, %dma_wait3A_58] : memref<32x128xi32, #tpu.memory_space<vmem>> -> memref<1x128xi32, #tpu.memory_space<vmem>>
        %dma_wait3A_60 = tpu.memref_squeeze %dma_wait3A_59 : memref<1x128xi32, #tpu.memory_space<vmem>> -> memref<128xi32, #tpu.memory_space<vmem>>
        %dma_wait3A_61 = arith.constant 0 : i32
        %dma_wait3A_62 = arith.constant 0 : i32
        %dma_wait3A_63 = tpu.memref_slice %arg4[%dma_wait3A_61, %dma_wait3A_62] : memref<10000x128xf32, #tpu.memory_space<hbm>> -> memref<10000x128xf32, #tpu.memory_space<hbm>>
        tpu.wait_indirect_dma semaphore(%arg13 : memref<!tpu.dma_semaphore, #tpu.memory_space<semaphore_mem>>) src(%dma_wait3A_63 : memref<10000x128xf32, #tpu.memory_space<hbm>>) dst(%arg10 : memref<128x128xf32, #tpu.memory_space<vmem>>)
        %add3A_64 = arith.constant 1 : i32
        %add3A_65 = arith.addi %mul3A_38, %add3A_64 : i32
        "tpu.region"() ({
          %run_scoped3A = tpu.sem_alloc : memref<!tpu.dma_semaphore, #tpu.memory_space<semaphore_mem>>
          %dma_start3A_66 = arith.constant 0 : i32
          %dma_start3A_67 = tpu.memref_slice %arg8[%add3A_65, %dma_start3A_66] : memref<32x128xi32, #tpu.memory_space<vmem>> -> memref<1x128xi32, #tpu.memory_space<vmem>>
          %dma_start3A_68 = tpu.memref_squeeze %dma_start3A_67 : memref<1x128xi32, #tpu.memory_space<vmem>> -> memref<128xi32, #tpu.memory_space<vmem>>
          %dma_start3A_69 = arith.constant 0 : i32
          %dma_start3A_70 = arith.constant 0 : i32
          %dma_start3A_71 = tpu.memref_slice %arg11[%dma_start3A_69, %dma_start3A_70] : memref<10240x128xf32, #tpu.memory_space<vmem_shared>> -> memref<10240x128xf32, #tpu.memory_space<vmem_shared>>
          tpu.enqueue_indirect_dma source(%arg10 : memref<128x128xf32, #tpu.memory_space<vmem>>) target(%dma_start3A_71 : memref<10240x128xf32, #tpu.memory_space<vmem_shared>>) offsets(%dma_start3A_68 : memref<128xi32, #tpu.memory_space<vmem>>) semaphore(%run_scoped3A : memref<!tpu.dma_semaphore, #tpu.memory_space<semaphore_mem>>) {add = true}
          %dma_wait3A_72 = arith.constant 0 : i32
          %dma_wait3A_73 = tpu.memref_slice %arg8[%add3A_65, %dma_wait3A_72] : memref<32x128xi32, #tpu.memory_space<vmem>> -> memref<1x128xi32, #tpu.memory_space<vmem>>
          %dma_wait3A_74 = tpu.memref_squeeze %dma_wait3A_73 : memref<1x128xi32, #tpu.memory_space<vmem>> -> memref<128xi32, #tpu.memory_space<vmem>>
          %dma_wait3A_75 = arith.constant 0 : i32
          %dma_wait3A_76 = arith.constant 0 : i32
          %dma_wait3A_77 = tpu.memref_slice %arg11[%dma_wait3A_75, %dma_wait3A_76] : memref<10240x128xf32, #tpu.memory_space<vmem_shared>> -> memref<10240x128xf32, #tpu.memory_space<vmem_shared>>
          tpu.wait_indirect_dma semaphore(%run_scoped3A : memref<!tpu.dma_semaphore, #tpu.memory_space<semaphore_mem>>) src(%arg10 : memref<128x128xf32, #tpu.memory_space<vmem>>) dst(%dma_wait3A_77 : memref<10240x128xf32, #tpu.memory_space<vmem_shared>>)
          tpu.yield
        }) : () -> ()
      }
      %scan3A_35 = arith.constant 16 : i32
    }
    %while3A_19 = arith.constant 1 : i32
    scf.for %while3A_21 = %while3A_17 to %while3A_13 step %while3A_19  : i32 {
      %mul3A_22 = arith.constant 32 : i32
      %mul3A_23 = arith.muli %while3A_21, %mul3A_22 : i32
      %add3A_24 = arith.addi %select_n3A_10, %mul3A_23 : i32
      "tpu.region"() ({
        %run_scoped3A = tpu.sem_alloc : memref<!tpu.dma_semaphore, #tpu.memory_space<semaphore_mem>>
        %dma_start3A_36 = arith.constant 0 : i32
        %dma_start3A_37 = tpu.memref_slice %arg2[%add3A_24, %dma_start3A_36] : memref<2560x128xi32, #tpu.memory_space<hbm>> -> memref<32x128xi32, #tpu.memory_space<hbm>>
        %dma_start3A_38 = arith.constant 0 : i32
        %dma_start3A_39 = tpu.memref_slice %arg2[%add3A_24, %dma_start3A_38] : memref<2560x128xi32, #tpu.memory_space<hbm>> -> memref<32x128xi32, #tpu.memory_space<hbm>>
        tpu.enqueue_dma source(%dma_start3A_39 : memref<32x128xi32, #tpu.memory_space<hbm>>) target(%arg7 : memref<32x128xi32, #tpu.memory_space<vmem>>) target_semaphore(%run_scoped3A : memref<!tpu.dma_semaphore, #tpu.memory_space<semaphore_mem>>)
        %dma_wait3A = arith.constant 0 : i32
        %dma_wait3A_40 = tpu.memref_slice %arg2[%add3A_24, %dma_wait3A] : memref<2560x128xi32, #tpu.memory_space<hbm>> -> memref<32x128xi32, #tpu.memory_space<hbm>>
        %dma_wait3A_41 = arith.constant 0 : i32
        %dma_wait3A_42 = tpu.memref_slice %arg2[%add3A_24, %dma_wait3A_41] : memref<2560x128xi32, #tpu.memory_space<hbm>> -> memref<32x128xi32, #tpu.memory_space<hbm>>
        tpu.wait_dma2 semaphore(%run_scoped3A : memref<!tpu.dma_semaphore, #tpu.memory_space<semaphore_mem>>) src(%dma_wait3A_42 : memref<32x128xi32, #tpu.memory_space<hbm>>) dst(%arg7 : memref<32x128xi32, #tpu.memory_space<vmem>>)
        tpu.yield
      }) : () -> ()
      "tpu.region"() ({
        %run_scoped3A = tpu.sem_alloc : memref<!tpu.dma_semaphore, #tpu.memory_space<semaphore_mem>>
        %dma_start3A_36 = arith.constant 0 : i32
        %dma_start3A_37 = tpu.memref_slice %arg3[%add3A_24, %dma_start3A_36] : memref<2560x128xi32, #tpu.memory_space<hbm>> -> memref<32x128xi32, #tpu.memory_space<hbm>>
        %dma_start3A_38 = arith.constant 0 : i32
        %dma_start3A_39 = tpu.memref_slice %arg3[%add3A_24, %dma_start3A_38] : memref<2560x128xi32, #tpu.memory_space<hbm>> -> memref<32x128xi32, #tpu.memory_space<hbm>>
        tpu.enqueue_dma source(%dma_start3A_39 : memref<32x128xi32, #tpu.memory_space<hbm>>) target(%arg8 : memref<32x128xi32, #tpu.memory_space<vmem>>) target_semaphore(%run_scoped3A : memref<!tpu.dma_semaphore, #tpu.memory_space<semaphore_mem>>)
        %dma_wait3A = arith.constant 0 : i32
        %dma_wait3A_40 = tpu.memref_slice %arg3[%add3A_24, %dma_wait3A] : memref<2560x128xi32, #tpu.memory_space<hbm>> -> memref<32x128xi32, #tpu.memory_space<hbm>>
        %dma_wait3A_41 = arith.constant 0 : i32
        %dma_wait3A_42 = tpu.memref_slice %arg3[%add3A_24, %dma_wait3A_41] : memref<2560x128xi32, #tpu.memory_space<hbm>> -> memref<32x128xi32, #tpu.memory_space<hbm>>
        tpu.wait_dma2 semaphore(%run_scoped3A : memref<!tpu.dma_semaphore, #tpu.memory_space<semaphore_mem>>) src(%dma_wait3A_42 : memref<32x128xi32, #tpu.memory_space<hbm>>) dst(%arg8 : memref<32x128xi32, #tpu.memory_space<vmem>>)
        tpu.yield
      }) : () -> ()
      %dma_start3A = arith.constant 0 : i32
      %dma_start3A_25 = arith.constant 0 : i32
      %dma_start3A_26 = tpu.memref_slice %arg7[%dma_start3A, %dma_start3A_25] : memref<32x128xi32, #tpu.memory_space<vmem>> -> memref<1x128xi32, #tpu.memory_space<vmem>>
      %dma_start3A_27 = tpu.memref_squeeze %dma_start3A_26 : memref<1x128xi32, #tpu.memory_space<vmem>> -> memref<128xi32, #tpu.memory_space<vmem>>
      %dma_start3A_28 = arith.constant 0 : i32
      %dma_start3A_29 = arith.constant 0 : i32
      %dma_start3A_30 = tpu.memref_slice %arg4[%dma_start3A_28, %dma_start3A_29] : memref<10000x128xf32, #tpu.memory_space<hbm>> -> memref<10000x128xf32, #tpu.memory_space<hbm>>
      tpu.enqueue_indirect_dma source(%dma_start3A_30 : memref<10000x128xf32, #tpu.memory_space<hbm>>) target(%arg9 : memref<128x128xf32, #tpu.memory_space<vmem>>) offsets(%dma_start3A_27 : memref<128xi32, #tpu.memory_space<vmem>>) semaphore(%arg12 : memref<!tpu.dma_semaphore, #tpu.memory_space<semaphore_mem>>)
      %scan3A = arith.constant 0 : i32
      %scan3A_31 = arith.constant 0 : i32
      %scan3A_32 = arith.constant 16 : i32
      %scan3A_33 = arith.addi %scan3A_31, %scan3A_32 : i32
      %scan3A_34 = arith.constant 1 : i32
      scf.for %scan3A_36 = %scan3A_31 to %scan3A_33 step %scan3A_34  : i32 {
        %mul3A_37 = arith.constant 2 : i32
        %mul3A_38 = arith.muli %mul3A_37, %scan3A_36 : i32
        %add3A_39 = arith.constant 1 : i32
        %add3A_40 = arith.addi %mul3A_38, %add3A_39 : i32
        %dma_start3A_41 = arith.constant 0 : i32
        %dma_start3A_42 = tpu.memref_slice %arg7[%add3A_40, %dma_start3A_41] : memref<32x128xi32, #tpu.memory_space<vmem>> -> memref<1x128xi32, #tpu.memory_space<vmem>>
        %dma_start3A_43 = tpu.memref_squeeze %dma_start3A_42 : memref<1x128xi32, #tpu.memory_space<vmem>> -> memref<128xi32, #tpu.memory_space<vmem>>
        %dma_start3A_44 = arith.constant 0 : i32
        %dma_start3A_45 = arith.constant 0 : i32
        %dma_start3A_46 = tpu.memref_slice %arg4[%dma_start3A_44, %dma_start3A_45] : memref<10000x128xf32, #tpu.memory_space<hbm>> -> memref<10000x128xf32, #tpu.memory_space<hbm>>
        tpu.enqueue_indirect_dma source(%dma_start3A_46 : memref<10000x128xf32, #tpu.memory_space<hbm>>) target(%arg10 : memref<128x128xf32, #tpu.memory_space<vmem>>) offsets(%dma_start3A_43 : memref<128xi32, #tpu.memory_space<vmem>>) semaphore(%arg13 : memref<!tpu.dma_semaphore, #tpu.memory_space<semaphore_mem>>)
        %dma_wait3A = arith.constant 0 : i32
        %dma_wait3A_47 = tpu.memref_slice %arg7[%mul3A_38, %dma_wait3A] : memref<32x128xi32, #tpu.memory_space<vmem>> -> memref<1x128xi32, #tpu.memory_space<vmem>>
        %dma_wait3A_48 = tpu.memref_squeeze %dma_wait3A_47 : memref<1x128xi32, #tpu.memory_space<vmem>> -> memref<128xi32, #tpu.memory_space<vmem>>
        %dma_wait3A_49 = arith.constant 0 : i32
        %dma_wait3A_50 = arith.constant 0 : i32
        %dma_wait3A_51 = tpu.memref_slice %arg4[%dma_wait3A_49, %dma_wait3A_50] : memref<10000x128xf32, #tpu.memory_space<hbm>> -> memref<10000x128xf32, #tpu.memory_space<hbm>>
        tpu.wait_indirect_dma semaphore(%arg12 : memref<!tpu.dma_semaphore, #tpu.memory_space<semaphore_mem>>) src(%dma_wait3A_51 : memref<10000x128xf32, #tpu.memory_space<hbm>>) dst(%arg9 : memref<128x128xf32, #tpu.memory_space<vmem>>)
        "tpu.region"() ({
          %run_scoped3A = tpu.sem_alloc : memref<!tpu.dma_semaphore, #tpu.memory_space<semaphore_mem>>
          %dma_start3A_66 = arith.constant 0 : i32
          %dma_start3A_67 = tpu.memref_slice %arg8[%mul3A_38, %dma_start3A_66] : memref<32x128xi32, #tpu.memory_space<vmem>> -> memref<1x128xi32, #tpu.memory_space<vmem>>
          %dma_start3A_68 = tpu.memref_squeeze %dma_start3A_67 : memref<1x128xi32, #tpu.memory_space<vmem>> -> memref<128xi32, #tpu.memory_space<vmem>>
          %dma_start3A_69 = arith.constant 0 : i32
          %dma_start3A_70 = arith.constant 0 : i32
          %dma_start3A_71 = tpu.memref_slice %arg11[%dma_start3A_69, %dma_start3A_70] : memref<10240x128xf32, #tpu.memory_space<vmem_shared>> -> memref<10240x128xf32, #tpu.memory_space<vmem_shared>>
          tpu.enqueue_indirect_dma source(%arg9 : memref<128x128xf32, #tpu.memory_space<vmem>>) target(%dma_start3A_71 : memref<10240x128xf32, #tpu.memory_space<vmem_shared>>) offsets(%dma_start3A_68 : memref<128xi32, #tpu.memory_space<vmem>>) semaphore(%run_scoped3A : memref<!tpu.dma_semaphore, #tpu.memory_space<semaphore_mem>>) {add = true}
          %dma_wait3A_72 = arith.constant 0 : i32
          %dma_wait3A_73 = tpu.memref_slice %arg8[%mul3A_38, %dma_wait3A_72] : memref<32x128xi32, #tpu.memory_space<vmem>> -> memref<1x128xi32, #tpu.memory_space<vmem>>
          %dma_wait3A_74 = tpu.memref_squeeze %dma_wait3A_73 : memref<1x128xi32, #tpu.memory_space<vmem>> -> memref<128xi32, #tpu.memory_space<vmem>>
          %dma_wait3A_75 = arith.constant 0 : i32
          %dma_wait3A_76 = arith.constant 0 : i32
          %dma_wait3A_77 = tpu.memref_slice %arg11[%dma_wait3A_75, %dma_wait3A_76] : memref<10240x128xf32, #tpu.memory_space<vmem_shared>> -> memref<10240x128xf32, #tpu.memory_space<vmem_shared>>
          tpu.wait_indirect_dma semaphore(%run_scoped3A : memref<!tpu.dma_semaphore, #tpu.memory_space<semaphore_mem>>) src(%arg9 : memref<128x128xf32, #tpu.memory_space<vmem>>) dst(%dma_wait3A_77 : memref<10240x128xf32, #tpu.memory_space<vmem_shared>>)
          tpu.yield
        }) : () -> ()
        %add3A_52 = arith.constant 2 : i32
        %add3A_53 = arith.addi %mul3A_38, %add3A_52 : i32
        %lt3A = arith.constant 32 : i32
        %lt3A_54 = arith.cmpi slt, %add3A_53, %lt3A : i32
        %convert_element_type3A = arith.extui %lt3A_54 : i1 to i32
        %cond3A = arith.constant 0 : i32
        %cond3A_55 = arith.cmpi ne, %convert_element_type3A, %cond3A : i32
        scf.if %cond3A_55 {
          %add3A_66 = arith.constant 2 : i32
          %add3A_67 = arith.addi %mul3A_38, %add3A_66 : i32
          %dma_start3A_68 = arith.constant 0 : i32
          %dma_start3A_69 = tpu.memref_slice %arg7[%add3A_67, %dma_start3A_68] : memref<32x128xi32, #tpu.memory_space<vmem>> -> memref<1x128xi32, #tpu.memory_space<vmem>>
          %dma_start3A_70 = tpu.memref_squeeze %dma_start3A_69 : memref<1x128xi32, #tpu.memory_space<vmem>> -> memref<128xi32, #tpu.memory_space<vmem>>
          %dma_start3A_71 = arith.constant 0 : i32
          %dma_start3A_72 = arith.constant 0 : i32
          %dma_start3A_73 = tpu.memref_slice %arg4[%dma_start3A_71, %dma_start3A_72] : memref<10000x128xf32, #tpu.memory_space<hbm>> -> memref<10000x128xf32, #tpu.memory_space<hbm>>
          tpu.enqueue_indirect_dma source(%dma_start3A_73 : memref<10000x128xf32, #tpu.memory_space<hbm>>) target(%arg9 : memref<128x128xf32, #tpu.memory_space<vmem>>) offsets(%dma_start3A_70 : memref<128xi32, #tpu.memory_space<vmem>>) semaphore(%arg12 : memref<!tpu.dma_semaphore, #tpu.memory_space<semaphore_mem>>)
        } else {
        }
        %add3A_56 = arith.constant 1 : i32
        %add3A_57 = arith.addi %mul3A_38, %add3A_56 : i32
        %dma_wait3A_58 = arith.constant 0 : i32
        %dma_wait3A_59 = tpu.memref_slice %arg7[%add3A_57, %dma_wait3A_58] : memref<32x128xi32, #tpu.memory_space<vmem>> -> memref<1x128xi32, #tpu.memory_space<vmem>>
        %dma_wait3A_60 = tpu.memref_squeeze %dma_wait3A_59 : memref<1x128xi32, #tpu.memory_space<vmem>> -> memref<128xi32, #tpu.memory_space<vmem>>
        %dma_wait3A_61 = arith.constant 0 : i32
        %dma_wait3A_62 = arith.constant 0 : i32
        %dma_wait3A_63 = tpu.memref_slice %arg4[%dma_wait3A_61, %dma_wait3A_62] : memref<10000x128xf32, #tpu.memory_space<hbm>> -> memref<10000x128xf32, #tpu.memory_space<hbm>>
        tpu.wait_indirect_dma semaphore(%arg13 : memref<!tpu.dma_semaphore, #tpu.memory_space<semaphore_mem>>) src(%dma_wait3A_63 : memref<10000x128xf32, #tpu.memory_space<hbm>>) dst(%arg10 : memref<128x128xf32, #tpu.memory_space<vmem>>)
        %add3A_64 = arith.constant 1 : i32
        %add3A_65 = arith.addi %mul3A_38, %add3A_64 : i32
        "tpu.region"() ({
          %run_scoped3A = tpu.sem_alloc : memref<!tpu.dma_semaphore, #tpu.memory_space<semaphore_mem>>
          %dma_start3A_66 = arith.constant 0 : i32
          %dma_start3A_67 = tpu.memref_slice %arg8[%add3A_65, %dma_start3A_66] : memref<32x128xi32, #tpu.memory_space<vmem>> -> memref<1x128xi32, #tpu.memory_space<vmem>>
          %dma_start3A_68 = tpu.memref_squeeze %dma_start3A_67 : memref<1x128xi32, #tpu.memory_space<vmem>> -> memref<128xi32, #tpu.memory_space<vmem>>
          %dma_start3A_69 = arith.constant 0 : i32
          %dma_start3A_70 = arith.constant 0 : i32
          %dma_start3A_71 = tpu.memref_slice %arg11[%dma_start3A_69, %dma_start3A_70] : memref<10240x128xf32, #tpu.memory_space<vmem_shared>> -> memref<10240x128xf32, #tpu.memory_space<vmem_shared>>
          tpu.enqueue_indirect_dma source(%arg10 : memref<128x128xf32, #tpu.memory_space<vmem>>) target(%dma_start3A_71 : memref<10240x128xf32, #tpu.memory_space<vmem_shared>>) offsets(%dma_start3A_68 : memref<128xi32, #tpu.memory_space<vmem>>) semaphore(%run_scoped3A : memref<!tpu.dma_semaphore, #tpu.memory_space<semaphore_mem>>) {add = true}
          %dma_wait3A_72 = arith.constant 0 : i32
          %dma_wait3A_73 = tpu.memref_slice %arg8[%add3A_65, %dma_wait3A_72] : memref<32x128xi32, #tpu.memory_space<vmem>> -> memref<1x128xi32, #tpu.memory_space<vmem>>
          %dma_wait3A_74 = tpu.memref_squeeze %dma_wait3A_73 : memref<1x128xi32, #tpu.memory_space<vmem>> -> memref<128xi32, #tpu.memory_space<vmem>>
          %dma_wait3A_75 = arith.constant 0 : i32
          %dma_wait3A_76 = arith.constant 0 : i32
          %dma_wait3A_77 = tpu.memref_slice %arg11[%dma_wait3A_75, %dma_wait3A_76] : memref<10240x128xf32, #tpu.memory_space<vmem_shared>> -> memref<10240x128xf32, #tpu.memory_space<vmem_shared>>
          tpu.wait_indirect_dma semaphore(%run_scoped3A : memref<!tpu.dma_semaphore, #tpu.memory_space<semaphore_mem>>) src(%arg10 : memref<128x128xf32, #tpu.memory_space<vmem>>) dst(%dma_wait3A_77 : memref<10240x128xf32, #tpu.memory_space<vmem_shared>>)
          tpu.yield
        }) : () -> ()
      }
      %scan3A_35 = arith.constant 16 : i32
    }
    %barrier3A_20 = arith.constant 0 : index
    tpu.barrier barrier_id(%barrier3A_20)
    "tpu.region"() ({
      %run_scoped3A = tpu.sem_alloc : memref<!tpu.dma_semaphore, #tpu.memory_space<semaphore_mem>>
      %dma_start3A = arith.constant 0 : i32
      %dma_start3A_21 = arith.constant 0 : i32
      %dma_start3A_22 = tpu.memref_slice %arg6[%arg0, %dma_start3A, %dma_start3A_21] : memref<2x10240x128xf32, #tpu.memory_space<hbm>> -> memref<1x10240x128xf32, #tpu.memory_space<hbm>>
      %dma_start3A_23 = tpu.memref_squeeze %dma_start3A_22 : memref<1x10240x128xf32, #tpu.memory_space<hbm>> -> memref<10240x128xf32, #tpu.memory_space<hbm>>
      %dma_start3A_24 = arith.constant 0 : i32
      %dma_start3A_25 = tpu.memref_slice %dma_start3A_23[%mul3A_0, %dma_start3A_24] : memref<10240x128xf32, #tpu.memory_space<hbm>> -> memref<640x128xf32, #tpu.memory_space<hbm>>
      %dma_start3A_26 = arith.constant 0 : i32
      %dma_start3A_27 = tpu.memref_slice %arg11[%mul3A_0, %dma_start3A_26] : memref<10240x128xf32, #tpu.memory_space<vmem_shared>> -> memref<640x128xf32, #tpu.memory_space<vmem_shared>>
      tpu.enqueue_dma source(%dma_start3A_27 : memref<640x128xf32, #tpu.memory_space<vmem_shared>>) target(%dma_start3A_25 : memref<640x128xf32, #tpu.memory_space<hbm>>) target_semaphore(%run_scoped3A : memref<!tpu.dma_semaphore, #tpu.memory_space<semaphore_mem>>)
      %dma_wait3A = arith.constant 0 : i32
      %dma_wait3A_28 = arith.constant 0 : i32
      %dma_wait3A_29 = tpu.memref_slice %arg6[%arg0, %dma_wait3A, %dma_wait3A_28] : memref<2x10240x128xf32, #tpu.memory_space<hbm>> -> memref<1x10240x128xf32, #tpu.memory_space<hbm>>
      %dma_wait3A_30 = tpu.memref_squeeze %dma_wait3A_29 : memref<1x10240x128xf32, #tpu.memory_space<hbm>> -> memref<10240x128xf32, #tpu.memory_space<hbm>>
      %dma_wait3A_31 = arith.constant 0 : i32
      %dma_wait3A_32 = tpu.memref_slice %dma_wait3A_30[%mul3A_0, %dma_wait3A_31] : memref<10240x128xf32, #tpu.memory_space<hbm>> -> memref<640x128xf32, #tpu.memory_space<hbm>>
      %dma_wait3A_33 = arith.constant 0 : i32
      %dma_wait3A_34 = tpu.memref_slice %arg11[%mul3A_0, %dma_wait3A_33] : memref<10240x128xf32, #tpu.memory_space<vmem_shared>> -> memref<640x128xf32, #tpu.memory_space<vmem_shared>>
      tpu.wait_dma2 semaphore(%run_scoped3A : memref<!tpu.dma_semaphore, #tpu.memory_space<semaphore_mem>>) src(%dma_wait3A_34 : memref<640x128xf32, #tpu.memory_space<vmem_shared>>) dst(%dma_wait3A_32 : memref<640x128xf32, #tpu.memory_space<hbm>>)
      tpu.yield
    }) : () -> ()
    return
  }
}

#map = affine_map<(d0, d1) -> (0, 0)>
#map1 = affine_map<(d0, d1) -> (0, 0, 0)>
module attributes {stable_mosaic.version = 14 : i64} {
  func.func @_sc_agg(%arg0: i32, %arg1: i32, %arg2: memref<2560x128xi32, #tpu.memory_space<hbm>>, %arg3: memref<2560x128xi32, #tpu.memory_space<hbm>>, %arg4: memref<10000x128xf32, #tpu.memory_space<hbm>>, %arg5: memref<640x128xf32, #tpu.memory_space<hbm>>, %arg6: memref<2x10240x128xf32, #tpu.memory_space<hbm>>, %arg7: memref<32x128xi32, #tpu.memory_space<vmem>>, %arg8: memref<32x128xi32, #tpu.memory_space<vmem>>, %arg9: memref<128x128xf32, #tpu.memory_space<vmem>>, %arg10: memref<128x128xf32, #tpu.memory_space<vmem>>, %arg11: memref<10240x128xf32, #tpu.memory_space<vmem_shared>>, %arg12: memref<!tpu.dma_semaphore, #tpu.memory_space<semaphore_mem>>, %arg13: memref<!tpu.dma_semaphore, #tpu.memory_space<semaphore_mem>>) attributes {dimension_semantics = [#tpu.dimension_semantics<core_parallel>, #tpu.dimension_semantics<subcore_parallel>], iteration_bounds = array<i64: 2, 16>, scalar_prefetch = 0 : i64, scratch_operands = 7 : i64, tpu.core_type = #tpu.core_type<sc_vector_subcore>, window_params = [{transform_indices = #map}, {transform_indices = #map}, {transform_indices = #map}, {transform_indices = #map}, {transform_indices = #map1}]} {
    %mul3A = arith.constant 640 : i32
    %mul3A_0 = arith.muli %arg1, %mul3A : i32
    "tpu.region"() ({
      %run_scoped3A = tpu.sem_alloc : memref<!tpu.dma_semaphore, #tpu.memory_space<semaphore_mem>>
      %dma_start3A = arith.constant 0 : i32
      %dma_start3A_21 = tpu.memref_slice %arg11[%mul3A_0, %dma_start3A] : memref<10240x128xf32, #tpu.memory_space<vmem_shared>> -> memref<640x128xf32, #tpu.memory_space<vmem_shared>>
      tpu.enqueue_dma source(%arg5 : memref<640x128xf32, #tpu.memory_space<hbm>>) target(%dma_start3A_21 : memref<640x128xf32, #tpu.memory_space<vmem_shared>>) target_semaphore(%run_scoped3A : memref<!tpu.dma_semaphore, #tpu.memory_space<semaphore_mem>>)
      %dma_wait3A = arith.constant 0 : i32
      %dma_wait3A_22 = tpu.memref_slice %arg11[%mul3A_0, %dma_wait3A] : memref<10240x128xf32, #tpu.memory_space<vmem_shared>> -> memref<640x128xf32, #tpu.memory_space<vmem_shared>>
      tpu.wait_dma2 semaphore(%run_scoped3A : memref<!tpu.dma_semaphore, #tpu.memory_space<semaphore_mem>>) src(%arg5 : memref<640x128xf32, #tpu.memory_space<hbm>>) dst(%dma_wait3A_22 : memref<640x128xf32, #tpu.memory_space<vmem_shared>>)
      tpu.yield
    }) : () -> ()
    %barrier3A = arith.constant 0 : index
    tpu.barrier barrier_id(%barrier3A)
    %eq3A = arith.constant 0 : i32
    %eq3A_1 = arith.cmpi eq, %arg0, %eq3A : i32
    %jit3A = arith.constant 4 : i32
    %jit3A_2 = arith.constant 1 : i32
    %select_n3A = arith.select %eq3A_1, %jit3A, %jit3A_2 : i32
    %eq3A_3 = arith.constant 0 : i32
    %eq3A_4 = arith.cmpi eq, %arg0, %eq3A_3 : i32
    %mul3A_5 = arith.constant 128 : i32
    %mul3A_6 = arith.muli %arg1, %mul3A_5 : i32
    %mul3A_7 = arith.constant 32 : i32
    %mul3A_8 = arith.muli %arg1, %mul3A_7 : i32
    %add3A = arith.constant 2048 : i32
    %add3A_9 = arith.addi %add3A, %mul3A_8 : i32
    %select_n3A_10 = arith.select %eq3A_4, %mul3A_6, %add3A_9 : i32
    %while3A = arith.constant 0 : i32
    %while3A_11 = arith.constant 0 : i32
    %while3A_12 = arith.subi %select_n3A, %while3A_11 : i32
    %while3A_13 = arith.addi %while3A_11, %while3A_12 : i32
    %while3A_14 = arith.constant 1 : i32
    %while3A_15 = arith.divsi %while3A_12, %while3A_14 : i32
    %while3A_16 = arith.muli %while3A_15, %while3A_14 : i32
    %while3A_17 = arith.addi %while3A_11, %while3A_16 : i32
    %while3A_18 = arith.constant 1 : i32
    scf.for %while3A_21 = %while3A_11 to %while3A_17 step %while3A_18  : i32 {
      %mul3A_22 = arith.constant 32 : i32
      %mul3A_23 = arith.muli %while3A_21, %mul3A_22 : i32
      %add3A_24 = arith.addi %select_n3A_10, %mul3A_23 : i32
      "tpu.region"() ({
        %run_scoped3A = tpu.sem_alloc : memref<!tpu.dma_semaphore, #tpu.memory_space<semaphore_mem>>
        %dma_start3A_36 = arith.constant 0 : i32
        %dma_start3A_37 = tpu.memref_slice %arg2[%add3A_24, %dma_start3A_36] : memref<2560x128xi32, #tpu.memory_space<hbm>> -> memref<32x128xi32, #tpu.memory_space<hbm>>
        %dma_start3A_38 = arith.constant 0 : i32
        %dma_start3A_39 = tpu.memref_slice %arg2[%add3A_24, %dma_start3A_38] : memref<2560x128xi32, #tpu.memory_space<hbm>> -> memref<32x128xi32, #tpu.memory_space<hbm>>
        tpu.enqueue_dma source(%dma_start3A_39 : memref<32x128xi32, #tpu.memory_space<hbm>>) target(%arg7 : memref<32x128xi32, #tpu.memory_space<vmem>>) target_semaphore(%run_scoped3A : memref<!tpu.dma_semaphore, #tpu.memory_space<semaphore_mem>>)
        %dma_wait3A = arith.constant 0 : i32
        %dma_wait3A_40 = tpu.memref_slice %arg2[%add3A_24, %dma_wait3A] : memref<2560x128xi32, #tpu.memory_space<hbm>> -> memref<32x128xi32, #tpu.memory_space<hbm>>
        %dma_wait3A_41 = arith.constant 0 : i32
        %dma_wait3A_42 = tpu.memref_slice %arg2[%add3A_24, %dma_wait3A_41] : memref<2560x128xi32, #tpu.memory_space<hbm>> -> memref<32x128xi32, #tpu.memory_space<hbm>>
        tpu.wait_dma2 semaphore(%run_scoped3A : memref<!tpu.dma_semaphore, #tpu.memory_space<semaphore_mem>>) src(%dma_wait3A_42 : memref<32x128xi32, #tpu.memory_space<hbm>>) dst(%arg7 : memref<32x128xi32, #tpu.memory_space<vmem>>)
        tpu.yield
      }) : () -> ()
      "tpu.region"() ({
        %run_scoped3A = tpu.sem_alloc : memref<!tpu.dma_semaphore, #tpu.memory_space<semaphore_mem>>
        %dma_start3A_36 = arith.constant 0 : i32
        %dma_start3A_37 = tpu.memref_slice %arg3[%add3A_24, %dma_start3A_36] : memref<2560x128xi32, #tpu.memory_space<hbm>> -> memref<32x128xi32, #tpu.memory_space<hbm>>
        %dma_start3A_38 = arith.constant 0 : i32
        %dma_start3A_39 = tpu.memref_slice %arg3[%add3A_24, %dma_start3A_38] : memref<2560x128xi32, #tpu.memory_space<hbm>> -> memref<32x128xi32, #tpu.memory_space<hbm>>
        tpu.enqueue_dma source(%dma_start3A_39 : memref<32x128xi32, #tpu.memory_space<hbm>>) target(%arg8 : memref<32x128xi32, #tpu.memory_space<vmem>>) target_semaphore(%run_scoped3A : memref<!tpu.dma_semaphore, #tpu.memory_space<semaphore_mem>>)
        %dma_wait3A = arith.constant 0 : i32
        %dma_wait3A_40 = tpu.memref_slice %arg3[%add3A_24, %dma_wait3A] : memref<2560x128xi32, #tpu.memory_space<hbm>> -> memref<32x128xi32, #tpu.memory_space<hbm>>
        %dma_wait3A_41 = arith.constant 0 : i32
        %dma_wait3A_42 = tpu.memref_slice %arg3[%add3A_24, %dma_wait3A_41] : memref<2560x128xi32, #tpu.memory_space<hbm>> -> memref<32x128xi32, #tpu.memory_space<hbm>>
        tpu.wait_dma2 semaphore(%run_scoped3A : memref<!tpu.dma_semaphore, #tpu.memory_space<semaphore_mem>>) src(%dma_wait3A_42 : memref<32x128xi32, #tpu.memory_space<hbm>>) dst(%arg8 : memref<32x128xi32, #tpu.memory_space<vmem>>)
        tpu.yield
      }) : () -> ()
      %dma_start3A = arith.constant 0 : i32
      %dma_start3A_25 = arith.constant 0 : i32
      %dma_start3A_26 = tpu.memref_slice %arg7[%dma_start3A, %dma_start3A_25] : memref<32x128xi32, #tpu.memory_space<vmem>> -> memref<1x128xi32, #tpu.memory_space<vmem>>
      %dma_start3A_27 = tpu.memref_squeeze %dma_start3A_26 : memref<1x128xi32, #tpu.memory_space<vmem>> -> memref<128xi32, #tpu.memory_space<vmem>>
      %dma_start3A_28 = arith.constant 0 : i32
      %dma_start3A_29 = arith.constant 0 : i32
      %dma_start3A_30 = tpu.memref_slice %arg4[%dma_start3A_28, %dma_start3A_29] : memref<10000x128xf32, #tpu.memory_space<hbm>> -> memref<10000x128xf32, #tpu.memory_space<hbm>>
      tpu.enqueue_indirect_dma source(%dma_start3A_30 : memref<10000x128xf32, #tpu.memory_space<hbm>>) target(%arg9 : memref<128x128xf32, #tpu.memory_space<vmem>>) offsets(%dma_start3A_27 : memref<128xi32, #tpu.memory_space<vmem>>) semaphore(%arg12 : memref<!tpu.dma_semaphore, #tpu.memory_space<semaphore_mem>>)
      %scan3A = arith.constant 0 : i32
      %scan3A_31 = arith.constant 0 : i32
      %scan3A_32 = arith.constant 16 : i32
      %scan3A_33 = arith.addi %scan3A_31, %scan3A_32 : i32
      %scan3A_34 = arith.constant 1 : i32
      scf.for %scan3A_36 = %scan3A_31 to %scan3A_33 step %scan3A_34  : i32 {
        %mul3A_37 = arith.constant 2 : i32
        %mul3A_38 = arith.muli %mul3A_37, %scan3A_36 : i32
        %add3A_39 = arith.constant 1 : i32
        %add3A_40 = arith.addi %mul3A_38, %add3A_39 : i32
        %dma_start3A_41 = arith.constant 0 : i32
        %dma_start3A_42 = tpu.memref_slice %arg7[%add3A_40, %dma_start3A_41] : memref<32x128xi32, #tpu.memory_space<vmem>> -> memref<1x128xi32, #tpu.memory_space<vmem>>
        %dma_start3A_43 = tpu.memref_squeeze %dma_start3A_42 : memref<1x128xi32, #tpu.memory_space<vmem>> -> memref<128xi32, #tpu.memory_space<vmem>>
        %dma_start3A_44 = arith.constant 0 : i32
        %dma_start3A_45 = arith.constant 0 : i32
        %dma_start3A_46 = tpu.memref_slice %arg4[%dma_start3A_44, %dma_start3A_45] : memref<10000x128xf32, #tpu.memory_space<hbm>> -> memref<10000x128xf32, #tpu.memory_space<hbm>>
        tpu.enqueue_indirect_dma source(%dma_start3A_46 : memref<10000x128xf32, #tpu.memory_space<hbm>>) target(%arg10 : memref<128x128xf32, #tpu.memory_space<vmem>>) offsets(%dma_start3A_43 : memref<128xi32, #tpu.memory_space<vmem>>) semaphore(%arg13 : memref<!tpu.dma_semaphore, #tpu.memory_space<semaphore_mem>>)
        %dma_wait3A = arith.constant 0 : i32
        %dma_wait3A_47 = tpu.memref_slice %arg7[%mul3A_38, %dma_wait3A] : memref<32x128xi32, #tpu.memory_space<vmem>> -> memref<1x128xi32, #tpu.memory_space<vmem>>
        %dma_wait3A_48 = tpu.memref_squeeze %dma_wait3A_47 : memref<1x128xi32, #tpu.memory_space<vmem>> -> memref<128xi32, #tpu.memory_space<vmem>>
        %dma_wait3A_49 = arith.constant 0 : i32
        %dma_wait3A_50 = arith.constant 0 : i32
        %dma_wait3A_51 = tpu.memref_slice %arg4[%dma_wait3A_49, %dma_wait3A_50] : memref<10000x128xf32, #tpu.memory_space<hbm>> -> memref<10000x128xf32, #tpu.memory_space<hbm>>
        tpu.wait_indirect_dma semaphore(%arg12 : memref<!tpu.dma_semaphore, #tpu.memory_space<semaphore_mem>>) src(%dma_wait3A_51 : memref<10000x128xf32, #tpu.memory_space<hbm>>) dst(%arg9 : memref<128x128xf32, #tpu.memory_space<vmem>>)
        "tpu.region"() ({
          %run_scoped3A = tpu.sem_alloc : memref<!tpu.dma_semaphore, #tpu.memory_space<semaphore_mem>>
          %dma_start3A_66 = arith.constant 0 : i32
          %dma_start3A_67 = tpu.memref_slice %arg8[%mul3A_38, %dma_start3A_66] : memref<32x128xi32, #tpu.memory_space<vmem>> -> memref<1x128xi32, #tpu.memory_space<vmem>>
          %dma_start3A_68 = tpu.memref_squeeze %dma_start3A_67 : memref<1x128xi32, #tpu.memory_space<vmem>> -> memref<128xi32, #tpu.memory_space<vmem>>
          %dma_start3A_69 = arith.constant 0 : i32
          %dma_start3A_70 = arith.constant 0 : i32
          %dma_start3A_71 = tpu.memref_slice %arg11[%dma_start3A_69, %dma_start3A_70] : memref<10240x128xf32, #tpu.memory_space<vmem_shared>> -> memref<10240x128xf32, #tpu.memory_space<vmem_shared>>
          tpu.enqueue_indirect_dma source(%arg9 : memref<128x128xf32, #tpu.memory_space<vmem>>) target(%dma_start3A_71 : memref<10240x128xf32, #tpu.memory_space<vmem_shared>>) offsets(%dma_start3A_68 : memref<128xi32, #tpu.memory_space<vmem>>) semaphore(%run_scoped3A : memref<!tpu.dma_semaphore, #tpu.memory_space<semaphore_mem>>) {add = true}
          %dma_wait3A_72 = arith.constant 0 : i32
          %dma_wait3A_73 = tpu.memref_slice %arg8[%mul3A_38, %dma_wait3A_72] : memref<32x128xi32, #tpu.memory_space<vmem>> -> memref<1x128xi32, #tpu.memory_space<vmem>>
          %dma_wait3A_74 = tpu.memref_squeeze %dma_wait3A_73 : memref<1x128xi32, #tpu.memory_space<vmem>> -> memref<128xi32, #tpu.memory_space<vmem>>
          %dma_wait3A_75 = arith.constant 0 : i32
          %dma_wait3A_76 = arith.constant 0 : i32
          %dma_wait3A_77 = tpu.memref_slice %arg11[%dma_wait3A_75, %dma_wait3A_76] : memref<10240x128xf32, #tpu.memory_space<vmem_shared>> -> memref<10240x128xf32, #tpu.memory_space<vmem_shared>>
          tpu.wait_indirect_dma semaphore(%run_scoped3A : memref<!tpu.dma_semaphore, #tpu.memory_space<semaphore_mem>>) src(%arg9 : memref<128x128xf32, #tpu.memory_space<vmem>>) dst(%dma_wait3A_77 : memref<10240x128xf32, #tpu.memory_space<vmem_shared>>)
          tpu.yield
        }) : () -> ()
        %add3A_52 = arith.constant 2 : i32
        %add3A_53 = arith.addi %mul3A_38, %add3A_52 : i32
        %lt3A = arith.constant 32 : i32
        %lt3A_54 = arith.cmpi slt, %add3A_53, %lt3A : i32
        %convert_element_type3A = arith.extui %lt3A_54 : i1 to i32
        %cond3A = arith.constant 0 : i32
        %cond3A_55 = arith.cmpi ne, %convert_element_type3A, %cond3A : i32
        scf.if %cond3A_55 {
          %add3A_66 = arith.constant 2 : i32
          %add3A_67 = arith.addi %mul3A_38, %add3A_66 : i32
          %dma_start3A_68 = arith.constant 0 : i32
          %dma_start3A_69 = tpu.memref_slice %arg7[%add3A_67, %dma_start3A_68] : memref<32x128xi32, #tpu.memory_space<vmem>> -> memref<1x128xi32, #tpu.memory_space<vmem>>
          %dma_start3A_70 = tpu.memref_squeeze %dma_start3A_69 : memref<1x128xi32, #tpu.memory_space<vmem>> -> memref<128xi32, #tpu.memory_space<vmem>>
          %dma_start3A_71 = arith.constant 0 : i32
          %dma_start3A_72 = arith.constant 0 : i32
          %dma_start3A_73 = tpu.memref_slice %arg4[%dma_start3A_71, %dma_start3A_72] : memref<10000x128xf32, #tpu.memory_space<hbm>> -> memref<10000x128xf32, #tpu.memory_space<hbm>>
          tpu.enqueue_indirect_dma source(%dma_start3A_73 : memref<10000x128xf32, #tpu.memory_space<hbm>>) target(%arg9 : memref<128x128xf32, #tpu.memory_space<vmem>>) offsets(%dma_start3A_70 : memref<128xi32, #tpu.memory_space<vmem>>) semaphore(%arg12 : memref<!tpu.dma_semaphore, #tpu.memory_space<semaphore_mem>>)
        } else {
        }
        %add3A_56 = arith.constant 1 : i32
        %add3A_57 = arith.addi %mul3A_38, %add3A_56 : i32
        %dma_wait3A_58 = arith.constant 0 : i32
        %dma_wait3A_59 = tpu.memref_slice %arg7[%add3A_57, %dma_wait3A_58] : memref<32x128xi32, #tpu.memory_space<vmem>> -> memref<1x128xi32, #tpu.memory_space<vmem>>
        %dma_wait3A_60 = tpu.memref_squeeze %dma_wait3A_59 : memref<1x128xi32, #tpu.memory_space<vmem>> -> memref<128xi32, #tpu.memory_space<vmem>>
        %dma_wait3A_61 = arith.constant 0 : i32
        %dma_wait3A_62 = arith.constant 0 : i32
        %dma_wait3A_63 = tpu.memref_slice %arg4[%dma_wait3A_61, %dma_wait3A_62] : memref<10000x128xf32, #tpu.memory_space<hbm>> -> memref<10000x128xf32, #tpu.memory_space<hbm>>
        tpu.wait_indirect_dma semaphore(%arg13 : memref<!tpu.dma_semaphore, #tpu.memory_space<semaphore_mem>>) src(%dma_wait3A_63 : memref<10000x128xf32, #tpu.memory_space<hbm>>) dst(%arg10 : memref<128x128xf32, #tpu.memory_space<vmem>>)
        %add3A_64 = arith.constant 1 : i32
        %add3A_65 = arith.addi %mul3A_38, %add3A_64 : i32
        "tpu.region"() ({
          %run_scoped3A = tpu.sem_alloc : memref<!tpu.dma_semaphore, #tpu.memory_space<semaphore_mem>>
          %dma_start3A_66 = arith.constant 0 : i32
          %dma_start3A_67 = tpu.memref_slice %arg8[%add3A_65, %dma_start3A_66] : memref<32x128xi32, #tpu.memory_space<vmem>> -> memref<1x128xi32, #tpu.memory_space<vmem>>
          %dma_start3A_68 = tpu.memref_squeeze %dma_start3A_67 : memref<1x128xi32, #tpu.memory_space<vmem>> -> memref<128xi32, #tpu.memory_space<vmem>>
          %dma_start3A_69 = arith.constant 0 : i32
          %dma_start3A_70 = arith.constant 0 : i32
          %dma_start3A_71 = tpu.memref_slice %arg11[%dma_start3A_69, %dma_start3A_70] : memref<10240x128xf32, #tpu.memory_space<vmem_shared>> -> memref<10240x128xf32, #tpu.memory_space<vmem_shared>>
          tpu.enqueue_indirect_dma source(%arg10 : memref<128x128xf32, #tpu.memory_space<vmem>>) target(%dma_start3A_71 : memref<10240x128xf32, #tpu.memory_space<vmem_shared>>) offsets(%dma_start3A_68 : memref<128xi32, #tpu.memory_space<vmem>>) semaphore(%run_scoped3A : memref<!tpu.dma_semaphore, #tpu.memory_space<semaphore_mem>>) {add = true}
          %dma_wait3A_72 = arith.constant 0 : i32
          %dma_wait3A_73 = tpu.memref_slice %arg8[%add3A_65, %dma_wait3A_72] : memref<32x128xi32, #tpu.memory_space<vmem>> -> memref<1x128xi32, #tpu.memory_space<vmem>>
          %dma_wait3A_74 = tpu.memref_squeeze %dma_wait3A_73 : memref<1x128xi32, #tpu.memory_space<vmem>> -> memref<128xi32, #tpu.memory_space<vmem>>
          %dma_wait3A_75 = arith.constant 0 : i32
          %dma_wait3A_76 = arith.constant 0 : i32
          %dma_wait3A_77 = tpu.memref_slice %arg11[%dma_wait3A_75, %dma_wait3A_76] : memref<10240x128xf32, #tpu.memory_space<vmem_shared>> -> memref<10240x128xf32, #tpu.memory_space<vmem_shared>>
          tpu.wait_indirect_dma semaphore(%run_scoped3A : memref<!tpu.dma_semaphore, #tpu.memory_space<semaphore_mem>>) src(%arg10 : memref<128x128xf32, #tpu.memory_space<vmem>>) dst(%dma_wait3A_77 : memref<10240x128xf32, #tpu.memory_space<vmem_shared>>)
          tpu.yield
        }) : () -> ()
      }
      %scan3A_35 = arith.constant 16 : i32
    }
    %while3A_19 = arith.constant 1 : i32
    scf.for %while3A_21 = %while3A_17 to %while3A_13 step %while3A_19  : i32 {
      %mul3A_22 = arith.constant 32 : i32
      %mul3A_23 = arith.muli %while3A_21, %mul3A_22 : i32
      %add3A_24 = arith.addi %select_n3A_10, %mul3A_23 : i32
      "tpu.region"() ({
        %run_scoped3A = tpu.sem_alloc : memref<!tpu.dma_semaphore, #tpu.memory_space<semaphore_mem>>
        %dma_start3A_36 = arith.constant 0 : i32
        %dma_start3A_37 = tpu.memref_slice %arg2[%add3A_24, %dma_start3A_36] : memref<2560x128xi32, #tpu.memory_space<hbm>> -> memref<32x128xi32, #tpu.memory_space<hbm>>
        %dma_start3A_38 = arith.constant 0 : i32
        %dma_start3A_39 = tpu.memref_slice %arg2[%add3A_24, %dma_start3A_38] : memref<2560x128xi32, #tpu.memory_space<hbm>> -> memref<32x128xi32, #tpu.memory_space<hbm>>
        tpu.enqueue_dma source(%dma_start3A_39 : memref<32x128xi32, #tpu.memory_space<hbm>>) target(%arg7 : memref<32x128xi32, #tpu.memory_space<vmem>>) target_semaphore(%run_scoped3A : memref<!tpu.dma_semaphore, #tpu.memory_space<semaphore_mem>>)
        %dma_wait3A = arith.constant 0 : i32
        %dma_wait3A_40 = tpu.memref_slice %arg2[%add3A_24, %dma_wait3A] : memref<2560x128xi32, #tpu.memory_space<hbm>> -> memref<32x128xi32, #tpu.memory_space<hbm>>
        %dma_wait3A_41 = arith.constant 0 : i32
        %dma_wait3A_42 = tpu.memref_slice %arg2[%add3A_24, %dma_wait3A_41] : memref<2560x128xi32, #tpu.memory_space<hbm>> -> memref<32x128xi32, #tpu.memory_space<hbm>>
        tpu.wait_dma2 semaphore(%run_scoped3A : memref<!tpu.dma_semaphore, #tpu.memory_space<semaphore_mem>>) src(%dma_wait3A_42 : memref<32x128xi32, #tpu.memory_space<hbm>>) dst(%arg7 : memref<32x128xi32, #tpu.memory_space<vmem>>)
        tpu.yield
      }) : () -> ()
      "tpu.region"() ({
        %run_scoped3A = tpu.sem_alloc : memref<!tpu.dma_semaphore, #tpu.memory_space<semaphore_mem>>
        %dma_start3A_36 = arith.constant 0 : i32
        %dma_start3A_37 = tpu.memref_slice %arg3[%add3A_24, %dma_start3A_36] : memref<2560x128xi32, #tpu.memory_space<hbm>> -> memref<32x128xi32, #tpu.memory_space<hbm>>
        %dma_start3A_38 = arith.constant 0 : i32
        %dma_start3A_39 = tpu.memref_slice %arg3[%add3A_24, %dma_start3A_38] : memref<2560x128xi32, #tpu.memory_space<hbm>> -> memref<32x128xi32, #tpu.memory_space<hbm>>
        tpu.enqueue_dma source(%dma_start3A_39 : memref<32x128xi32, #tpu.memory_space<hbm>>) target(%arg8 : memref<32x128xi32, #tpu.memory_space<vmem>>) target_semaphore(%run_scoped3A : memref<!tpu.dma_semaphore, #tpu.memory_space<semaphore_mem>>)
        %dma_wait3A = arith.constant 0 : i32
        %dma_wait3A_40 = tpu.memref_slice %arg3[%add3A_24, %dma_wait3A] : memref<2560x128xi32, #tpu.memory_space<hbm>> -> memref<32x128xi32, #tpu.memory_space<hbm>>
        %dma_wait3A_41 = arith.constant 0 : i32
        %dma_wait3A_42 = tpu.memref_slice %arg3[%add3A_24, %dma_wait3A_41] : memref<2560x128xi32, #tpu.memory_space<hbm>> -> memref<32x128xi32, #tpu.memory_space<hbm>>
        tpu.wait_dma2 semaphore(%run_scoped3A : memref<!tpu.dma_semaphore, #tpu.memory_space<semaphore_mem>>) src(%dma_wait3A_42 : memref<32x128xi32, #tpu.memory_space<hbm>>) dst(%arg8 : memref<32x128xi32, #tpu.memory_space<vmem>>)
        tpu.yield
      }) : () -> ()
      %dma_start3A = arith.constant 0 : i32
      %dma_start3A_25 = arith.constant 0 : i32
      %dma_start3A_26 = tpu.memref_slice %arg7[%dma_start3A, %dma_start3A_25] : memref<32x128xi32, #tpu.memory_space<vmem>> -> memref<1x128xi32, #tpu.memory_space<vmem>>
      %dma_start3A_27 = tpu.memref_squeeze %dma_start3A_26 : memref<1x128xi32, #tpu.memory_space<vmem>> -> memref<128xi32, #tpu.memory_space<vmem>>
      %dma_start3A_28 = arith.constant 0 : i32
      %dma_start3A_29 = arith.constant 0 : i32
      %dma_start3A_30 = tpu.memref_slice %arg4[%dma_start3A_28, %dma_start3A_29] : memref<10000x128xf32, #tpu.memory_space<hbm>> -> memref<10000x128xf32, #tpu.memory_space<hbm>>
      tpu.enqueue_indirect_dma source(%dma_start3A_30 : memref<10000x128xf32, #tpu.memory_space<hbm>>) target(%arg9 : memref<128x128xf32, #tpu.memory_space<vmem>>) offsets(%dma_start3A_27 : memref<128xi32, #tpu.memory_space<vmem>>) semaphore(%arg12 : memref<!tpu.dma_semaphore, #tpu.memory_space<semaphore_mem>>)
      %scan3A = arith.constant 0 : i32
      %scan3A_31 = arith.constant 0 : i32
      %scan3A_32 = arith.constant 16 : i32
      %scan3A_33 = arith.addi %scan3A_31, %scan3A_32 : i32
      %scan3A_34 = arith.constant 1 : i32
      scf.for %scan3A_36 = %scan3A_31 to %scan3A_33 step %scan3A_34  : i32 {
        %mul3A_37 = arith.constant 2 : i32
        %mul3A_38 = arith.muli %mul3A_37, %scan3A_36 : i32
        %add3A_39 = arith.constant 1 : i32
        %add3A_40 = arith.addi %mul3A_38, %add3A_39 : i32
        %dma_start3A_41 = arith.constant 0 : i32
        %dma_start3A_42 = tpu.memref_slice %arg7[%add3A_40, %dma_start3A_41] : memref<32x128xi32, #tpu.memory_space<vmem>> -> memref<1x128xi32, #tpu.memory_space<vmem>>
        %dma_start3A_43 = tpu.memref_squeeze %dma_start3A_42 : memref<1x128xi32, #tpu.memory_space<vmem>> -> memref<128xi32, #tpu.memory_space<vmem>>
        %dma_start3A_44 = arith.constant 0 : i32
        %dma_start3A_45 = arith.constant 0 : i32
        %dma_start3A_46 = tpu.memref_slice %arg4[%dma_start3A_44, %dma_start3A_45] : memref<10000x128xf32, #tpu.memory_space<hbm>> -> memref<10000x128xf32, #tpu.memory_space<hbm>>
        tpu.enqueue_indirect_dma source(%dma_start3A_46 : memref<10000x128xf32, #tpu.memory_space<hbm>>) target(%arg10 : memref<128x128xf32, #tpu.memory_space<vmem>>) offsets(%dma_start3A_43 : memref<128xi32, #tpu.memory_space<vmem>>) semaphore(%arg13 : memref<!tpu.dma_semaphore, #tpu.memory_space<semaphore_mem>>)
        %dma_wait3A = arith.constant 0 : i32
        %dma_wait3A_47 = tpu.memref_slice %arg7[%mul3A_38, %dma_wait3A] : memref<32x128xi32, #tpu.memory_space<vmem>> -> memref<1x128xi32, #tpu.memory_space<vmem>>
        %dma_wait3A_48 = tpu.memref_squeeze %dma_wait3A_47 : memref<1x128xi32, #tpu.memory_space<vmem>> -> memref<128xi32, #tpu.memory_space<vmem>>
        %dma_wait3A_49 = arith.constant 0 : i32
        %dma_wait3A_50 = arith.constant 0 : i32
        %dma_wait3A_51 = tpu.memref_slice %arg4[%dma_wait3A_49, %dma_wait3A_50] : memref<10000x128xf32, #tpu.memory_space<hbm>> -> memref<10000x128xf32, #tpu.memory_space<hbm>>
        tpu.wait_indirect_dma semaphore(%arg12 : memref<!tpu.dma_semaphore, #tpu.memory_space<semaphore_mem>>) src(%dma_wait3A_51 : memref<10000x128xf32, #tpu.memory_space<hbm>>) dst(%arg9 : memref<128x128xf32, #tpu.memory_space<vmem>>)
        "tpu.region"() ({
          %run_scoped3A = tpu.sem_alloc : memref<!tpu.dma_semaphore, #tpu.memory_space<semaphore_mem>>
          %dma_start3A_66 = arith.constant 0 : i32
          %dma_start3A_67 = tpu.memref_slice %arg8[%mul3A_38, %dma_start3A_66] : memref<32x128xi32, #tpu.memory_space<vmem>> -> memref<1x128xi32, #tpu.memory_space<vmem>>
          %dma_start3A_68 = tpu.memref_squeeze %dma_start3A_67 : memref<1x128xi32, #tpu.memory_space<vmem>> -> memref<128xi32, #tpu.memory_space<vmem>>
          %dma_start3A_69 = arith.constant 0 : i32
          %dma_start3A_70 = arith.constant 0 : i32
          %dma_start3A_71 = tpu.memref_slice %arg11[%dma_start3A_69, %dma_start3A_70] : memref<10240x128xf32, #tpu.memory_space<vmem_shared>> -> memref<10240x128xf32, #tpu.memory_space<vmem_shared>>
          tpu.enqueue_indirect_dma source(%arg9 : memref<128x128xf32, #tpu.memory_space<vmem>>) target(%dma_start3A_71 : memref<10240x128xf32, #tpu.memory_space<vmem_shared>>) offsets(%dma_start3A_68 : memref<128xi32, #tpu.memory_space<vmem>>) semaphore(%run_scoped3A : memref<!tpu.dma_semaphore, #tpu.memory_space<semaphore_mem>>) {add = true}
          %dma_wait3A_72 = arith.constant 0 : i32
          %dma_wait3A_73 = tpu.memref_slice %arg8[%mul3A_38, %dma_wait3A_72] : memref<32x128xi32, #tpu.memory_space<vmem>> -> memref<1x128xi32, #tpu.memory_space<vmem>>
          %dma_wait3A_74 = tpu.memref_squeeze %dma_wait3A_73 : memref<1x128xi32, #tpu.memory_space<vmem>> -> memref<128xi32, #tpu.memory_space<vmem>>
          %dma_wait3A_75 = arith.constant 0 : i32
          %dma_wait3A_76 = arith.constant 0 : i32
          %dma_wait3A_77 = tpu.memref_slice %arg11[%dma_wait3A_75, %dma_wait3A_76] : memref<10240x128xf32, #tpu.memory_space<vmem_shared>> -> memref<10240x128xf32, #tpu.memory_space<vmem_shared>>
          tpu.wait_indirect_dma semaphore(%run_scoped3A : memref<!tpu.dma_semaphore, #tpu.memory_space<semaphore_mem>>) src(%arg9 : memref<128x128xf32, #tpu.memory_space<vmem>>) dst(%dma_wait3A_77 : memref<10240x128xf32, #tpu.memory_space<vmem_shared>>)
          tpu.yield
        }) : () -> ()
        %add3A_52 = arith.constant 2 : i32
        %add3A_53 = arith.addi %mul3A_38, %add3A_52 : i32
        %lt3A = arith.constant 32 : i32
        %lt3A_54 = arith.cmpi slt, %add3A_53, %lt3A : i32
        %convert_element_type3A = arith.extui %lt3A_54 : i1 to i32
        %cond3A = arith.constant 0 : i32
        %cond3A_55 = arith.cmpi ne, %convert_element_type3A, %cond3A : i32
        scf.if %cond3A_55 {
          %add3A_66 = arith.constant 2 : i32
          %add3A_67 = arith.addi %mul3A_38, %add3A_66 : i32
          %dma_start3A_68 = arith.constant 0 : i32
          %dma_start3A_69 = tpu.memref_slice %arg7[%add3A_67, %dma_start3A_68] : memref<32x128xi32, #tpu.memory_space<vmem>> -> memref<1x128xi32, #tpu.memory_space<vmem>>
          %dma_start3A_70 = tpu.memref_squeeze %dma_start3A_69 : memref<1x128xi32, #tpu.memory_space<vmem>> -> memref<128xi32, #tpu.memory_space<vmem>>
          %dma_start3A_71 = arith.constant 0 : i32
          %dma_start3A_72 = arith.constant 0 : i32
          %dma_start3A_73 = tpu.memref_slice %arg4[%dma_start3A_71, %dma_start3A_72] : memref<10000x128xf32, #tpu.memory_space<hbm>> -> memref<10000x128xf32, #tpu.memory_space<hbm>>
          tpu.enqueue_indirect_dma source(%dma_start3A_73 : memref<10000x128xf32, #tpu.memory_space<hbm>>) target(%arg9 : memref<128x128xf32, #tpu.memory_space<vmem>>) offsets(%dma_start3A_70 : memref<128xi32, #tpu.memory_space<vmem>>) semaphore(%arg12 : memref<!tpu.dma_semaphore, #tpu.memory_space<semaphore_mem>>)
        } else {
        }
        %add3A_56 = arith.constant 1 : i32
        %add3A_57 = arith.addi %mul3A_38, %add3A_56 : i32
        %dma_wait3A_58 = arith.constant 0 : i32
        %dma_wait3A_59 = tpu.memref_slice %arg7[%add3A_57, %dma_wait3A_58] : memref<32x128xi32, #tpu.memory_space<vmem>> -> memref<1x128xi32, #tpu.memory_space<vmem>>
        %dma_wait3A_60 = tpu.memref_squeeze %dma_wait3A_59 : memref<1x128xi32, #tpu.memory_space<vmem>> -> memref<128xi32, #tpu.memory_space<vmem>>
        %dma_wait3A_61 = arith.constant 0 : i32
        %dma_wait3A_62 = arith.constant 0 : i32
        %dma_wait3A_63 = tpu.memref_slice %arg4[%dma_wait3A_61, %dma_wait3A_62] : memref<10000x128xf32, #tpu.memory_space<hbm>> -> memref<10000x128xf32, #tpu.memory_space<hbm>>
        tpu.wait_indirect_dma semaphore(%arg13 : memref<!tpu.dma_semaphore, #tpu.memory_space<semaphore_mem>>) src(%dma_wait3A_63 : memref<10000x128xf32, #tpu.memory_space<hbm>>) dst(%arg10 : memref<128x128xf32, #tpu.memory_space<vmem>>)
        %add3A_64 = arith.constant 1 : i32
        %add3A_65 = arith.addi %mul3A_38, %add3A_64 : i32
        "tpu.region"() ({
          %run_scoped3A = tpu.sem_alloc : memref<!tpu.dma_semaphore, #tpu.memory_space<semaphore_mem>>
          %dma_start3A_66 = arith.constant 0 : i32
          %dma_start3A_67 = tpu.memref_slice %arg8[%add3A_65, %dma_start3A_66] : memref<32x128xi32, #tpu.memory_space<vmem>> -> memref<1x128xi32, #tpu.memory_space<vmem>>
          %dma_start3A_68 = tpu.memref_squeeze %dma_start3A_67 : memref<1x128xi32, #tpu.memory_space<vmem>> -> memref<128xi32, #tpu.memory_space<vmem>>
          %dma_start3A_69 = arith.constant 0 : i32
          %dma_start3A_70 = arith.constant 0 : i32
          %dma_start3A_71 = tpu.memref_slice %arg11[%dma_start3A_69, %dma_start3A_70] : memref<10240x128xf32, #tpu.memory_space<vmem_shared>> -> memref<10240x128xf32, #tpu.memory_space<vmem_shared>>
          tpu.enqueue_indirect_dma source(%arg10 : memref<128x128xf32, #tpu.memory_space<vmem>>) target(%dma_start3A_71 : memref<10240x128xf32, #tpu.memory_space<vmem_shared>>) offsets(%dma_start3A_68 : memref<128xi32, #tpu.memory_space<vmem>>) semaphore(%run_scoped3A : memref<!tpu.dma_semaphore, #tpu.memory_space<semaphore_mem>>) {add = true}
          %dma_wait3A_72 = arith.constant 0 : i32
          %dma_wait3A_73 = tpu.memref_slice %arg8[%add3A_65, %dma_wait3A_72] : memref<32x128xi32, #tpu.memory_space<vmem>> -> memref<1x128xi32, #tpu.memory_space<vmem>>
          %dma_wait3A_74 = tpu.memref_squeeze %dma_wait3A_73 : memref<1x128xi32, #tpu.memory_space<vmem>> -> memref<128xi32, #tpu.memory_space<vmem>>
          %dma_wait3A_75 = arith.constant 0 : i32
          %dma_wait3A_76 = arith.constant 0 : i32
          %dma_wait3A_77 = tpu.memref_slice %arg11[%dma_wait3A_75, %dma_wait3A_76] : memref<10240x128xf32, #tpu.memory_space<vmem_shared>> -> memref<10240x128xf32, #tpu.memory_space<vmem_shared>>
          tpu.wait_indirect_dma semaphore(%run_scoped3A : memref<!tpu.dma_semaphore, #tpu.memory_space<semaphore_mem>>) src(%arg10 : memref<128x128xf32, #tpu.memory_space<vmem>>) dst(%dma_wait3A_77 : memref<10240x128xf32, #tpu.memory_space<vmem_shared>>)
          tpu.yield
        }) : () -> ()
      }
      %scan3A_35 = arith.constant 16 : i32
    }
    %barrier3A_20 = arith.constant 0 : index
    tpu.barrier barrier_id(%barrier3A_20)
    "tpu.region"() ({
      %run_scoped3A = tpu.sem_alloc : memref<!tpu.dma_semaphore, #tpu.memory_space<semaphore_mem>>
      %dma_start3A = arith.constant 0 : i32
      %dma_start3A_21 = arith.constant 0 : i32
      %dma_start3A_22 = tpu.memref_slice %arg6[%arg0, %dma_start3A, %dma_start3A_21] : memref<2x10240x128xf32, #tpu.memory_space<hbm>> -> memref<1x10240x128xf32, #tpu.memory_space<hbm>>
      %dma_start3A_23 = tpu.memref_squeeze %dma_start3A_22 : memref<1x10240x128xf32, #tpu.memory_space<hbm>> -> memref<10240x128xf32, #tpu.memory_space<hbm>>
      %dma_start3A_24 = arith.constant 0 : i32
      %dma_start3A_25 = tpu.memref_slice %dma_start3A_23[%mul3A_0, %dma_start3A_24] : memref<10240x128xf32, #tpu.memory_space<hbm>> -> memref<640x128xf32, #tpu.memory_space<hbm>>
      %dma_start3A_26 = arith.constant 0 : i32
      %dma_start3A_27 = tpu.memref_slice %arg11[%mul3A_0, %dma_start3A_26] : memref<10240x128xf32, #tpu.memory_space<vmem_shared>> -> memref<640x128xf32, #tpu.memory_space<vmem_shared>>
      tpu.enqueue_dma source(%dma_start3A_27 : memref<640x128xf32, #tpu.memory_space<vmem_shared>>) target(%dma_start3A_25 : memref<640x128xf32, #tpu.memory_space<hbm>>) target_semaphore(%run_scoped3A : memref<!tpu.dma_semaphore, #tpu.memory_space<semaphore_mem>>)
      %dma_wait3A = arith.constant 0 : i32
      %dma_wait3A_28 = arith.constant 0 : i32
      %dma_wait3A_29 = tpu.memref_slice %arg6[%arg0, %dma_wait3A, %dma_wait3A_28] : memref<2x10240x128xf32, #tpu.memory_space<hbm>> -> memref<1x10240x128xf32, #tpu.memory_space<hbm>>
      %dma_wait3A_30 = tpu.memref_squeeze %dma_wait3A_29 : memref<1x10240x128xf32, #tpu.memory_space<hbm>> -> memref<10240x128xf32, #tpu.memory_space<hbm>>
      %dma_wait3A_31 = arith.constant 0 : i32
      %dma_wait3A_32 = tpu.memref_slice %dma_wait3A_30[%mul3A_0, %dma_wait3A_31] : memref<10240x128xf32, #tpu.memory_space<hbm>> -> memref<640x128xf32, #tpu.memory_space<hbm>>
      %dma_wait3A_33 = arith.constant 0 : i32
      %dma_wait3A_34 = tpu.memref_slice %arg11[%mul3A_0, %dma_wait3A_33] : memref<10240x128xf32, #tpu.memory_space<vmem_shared>> -> memref<640x128xf32, #tpu.memory_space<vmem_shared>>
      tpu.wait_dma2 semaphore(%run_scoped3A : memref<!tpu.dma_semaphore, #tpu.memory_space<semaphore_mem>>) src(%dma_wait3A_34 : memref<640x128xf32, #tpu.memory_space<vmem_shared>>) dst(%dma_wait3A_32 : memref<640x128xf32, #tpu.memory_space<hbm>>)
      tpu.yield
    }) : () -> ()
    return
  }
}

#map = affine_map<(d0, d1) -> (0, 0)>
#map1 = affine_map<(d0, d1) -> (0, 0, 0)>
module attributes {stable_mosaic.version = 14 : i64} {
  func.func @_sc_agg(%arg0: i32, %arg1: i32, %arg2: memref<2560x128xi32, #tpu.memory_space<hbm>>, %arg3: memref<2560x128xi32, #tpu.memory_space<hbm>>, %arg4: memref<10000x128xf32, #tpu.memory_space<hbm>>, %arg5: memref<640x128xf32, #tpu.memory_space<hbm>>, %arg6: memref<2x10240x128xf32, #tpu.memory_space<hbm>>, %arg7: memref<32x128xi32, #tpu.memory_space<vmem>>, %arg8: memref<32x128xi32, #tpu.memory_space<vmem>>, %arg9: memref<128x128xf32, #tpu.memory_space<vmem>>, %arg10: memref<128x128xf32, #tpu.memory_space<vmem>>, %arg11: memref<10240x128xf32, #tpu.memory_space<vmem_shared>>, %arg12: memref<!tpu.dma_semaphore, #tpu.memory_space<semaphore_mem>>, %arg13: memref<!tpu.dma_semaphore, #tpu.memory_space<semaphore_mem>>) attributes {dimension_semantics = [#tpu.dimension_semantics<core_parallel>, #tpu.dimension_semantics<subcore_parallel>], iteration_bounds = array<i64: 2, 16>, scalar_prefetch = 0 : i64, scratch_operands = 7 : i64, tpu.core_type = #tpu.core_type<sc_vector_subcore>, window_params = [{transform_indices = #map}, {transform_indices = #map}, {transform_indices = #map}, {transform_indices = #map}, {transform_indices = #map1}]} {
    %mul3A = arith.constant 640 : i32
    %mul3A_0 = arith.muli %arg1, %mul3A : i32
    "tpu.region"() ({
      %run_scoped3A = tpu.sem_alloc : memref<!tpu.dma_semaphore, #tpu.memory_space<semaphore_mem>>
      %dma_start3A = arith.constant 0 : i32
      %dma_start3A_21 = tpu.memref_slice %arg11[%mul3A_0, %dma_start3A] : memref<10240x128xf32, #tpu.memory_space<vmem_shared>> -> memref<640x128xf32, #tpu.memory_space<vmem_shared>>
      tpu.enqueue_dma source(%arg5 : memref<640x128xf32, #tpu.memory_space<hbm>>) target(%dma_start3A_21 : memref<640x128xf32, #tpu.memory_space<vmem_shared>>) target_semaphore(%run_scoped3A : memref<!tpu.dma_semaphore, #tpu.memory_space<semaphore_mem>>)
      %dma_wait3A = arith.constant 0 : i32
      %dma_wait3A_22 = tpu.memref_slice %arg11[%mul3A_0, %dma_wait3A] : memref<10240x128xf32, #tpu.memory_space<vmem_shared>> -> memref<640x128xf32, #tpu.memory_space<vmem_shared>>
      tpu.wait_dma2 semaphore(%run_scoped3A : memref<!tpu.dma_semaphore, #tpu.memory_space<semaphore_mem>>) src(%arg5 : memref<640x128xf32, #tpu.memory_space<hbm>>) dst(%dma_wait3A_22 : memref<640x128xf32, #tpu.memory_space<vmem_shared>>)
      tpu.yield
    }) : () -> ()
    %barrier3A = arith.constant 0 : index
    tpu.barrier barrier_id(%barrier3A)
    %eq3A = arith.constant 0 : i32
    %eq3A_1 = arith.cmpi eq, %arg0, %eq3A : i32
    %jit3A = arith.constant 4 : i32
    %jit3A_2 = arith.constant 1 : i32
    %select_n3A = arith.select %eq3A_1, %jit3A, %jit3A_2 : i32
    %eq3A_3 = arith.constant 0 : i32
    %eq3A_4 = arith.cmpi eq, %arg0, %eq3A_3 : i32
    %mul3A_5 = arith.constant 128 : i32
    %mul3A_6 = arith.muli %arg1, %mul3A_5 : i32
    %mul3A_7 = arith.constant 32 : i32
    %mul3A_8 = arith.muli %arg1, %mul3A_7 : i32
    %add3A = arith.constant 2048 : i32
    %add3A_9 = arith.addi %add3A, %mul3A_8 : i32
    %select_n3A_10 = arith.select %eq3A_4, %mul3A_6, %add3A_9 : i32
    %while3A = arith.constant 0 : i32
    %while3A_11 = arith.constant 0 : i32
    %while3A_12 = arith.subi %select_n3A, %while3A_11 : i32
    %while3A_13 = arith.addi %while3A_11, %while3A_12 : i32
    %while3A_14 = arith.constant 1 : i32
    %while3A_15 = arith.divsi %while3A_12, %while3A_14 : i32
    %while3A_16 = arith.muli %while3A_15, %while3A_14 : i32
    %while3A_17 = arith.addi %while3A_11, %while3A_16 : i32
    %while3A_18 = arith.constant 1 : i32
    scf.for %while3A_21 = %while3A_11 to %while3A_17 step %while3A_18  : i32 {
      %mul3A_22 = arith.constant 32 : i32
      %mul3A_23 = arith.muli %while3A_21, %mul3A_22 : i32
      %add3A_24 = arith.addi %select_n3A_10, %mul3A_23 : i32
      "tpu.region"() ({
        %run_scoped3A = tpu.sem_alloc : memref<!tpu.dma_semaphore, #tpu.memory_space<semaphore_mem>>
        %dma_start3A_36 = arith.constant 0 : i32
        %dma_start3A_37 = tpu.memref_slice %arg2[%add3A_24, %dma_start3A_36] : memref<2560x128xi32, #tpu.memory_space<hbm>> -> memref<32x128xi32, #tpu.memory_space<hbm>>
        %dma_start3A_38 = arith.constant 0 : i32
        %dma_start3A_39 = tpu.memref_slice %arg2[%add3A_24, %dma_start3A_38] : memref<2560x128xi32, #tpu.memory_space<hbm>> -> memref<32x128xi32, #tpu.memory_space<hbm>>
        tpu.enqueue_dma source(%dma_start3A_39 : memref<32x128xi32, #tpu.memory_space<hbm>>) target(%arg7 : memref<32x128xi32, #tpu.memory_space<vmem>>) target_semaphore(%run_scoped3A : memref<!tpu.dma_semaphore, #tpu.memory_space<semaphore_mem>>)
        %dma_wait3A = arith.constant 0 : i32
        %dma_wait3A_40 = tpu.memref_slice %arg2[%add3A_24, %dma_wait3A] : memref<2560x128xi32, #tpu.memory_space<hbm>> -> memref<32x128xi32, #tpu.memory_space<hbm>>
        %dma_wait3A_41 = arith.constant 0 : i32
        %dma_wait3A_42 = tpu.memref_slice %arg2[%add3A_24, %dma_wait3A_41] : memref<2560x128xi32, #tpu.memory_space<hbm>> -> memref<32x128xi32, #tpu.memory_space<hbm>>
        tpu.wait_dma2 semaphore(%run_scoped3A : memref<!tpu.dma_semaphore, #tpu.memory_space<semaphore_mem>>) src(%dma_wait3A_42 : memref<32x128xi32, #tpu.memory_space<hbm>>) dst(%arg7 : memref<32x128xi32, #tpu.memory_space<vmem>>)
        tpu.yield
      }) : () -> ()
      "tpu.region"() ({
        %run_scoped3A = tpu.sem_alloc : memref<!tpu.dma_semaphore, #tpu.memory_space<semaphore_mem>>
        %dma_start3A_36 = arith.constant 0 : i32
        %dma_start3A_37 = tpu.memref_slice %arg3[%add3A_24, %dma_start3A_36] : memref<2560x128xi32, #tpu.memory_space<hbm>> -> memref<32x128xi32, #tpu.memory_space<hbm>>
        %dma_start3A_38 = arith.constant 0 : i32
        %dma_start3A_39 = tpu.memref_slice %arg3[%add3A_24, %dma_start3A_38] : memref<2560x128xi32, #tpu.memory_space<hbm>> -> memref<32x128xi32, #tpu.memory_space<hbm>>
        tpu.enqueue_dma source(%dma_start3A_39 : memref<32x128xi32, #tpu.memory_space<hbm>>) target(%arg8 : memref<32x128xi32, #tpu.memory_space<vmem>>) target_semaphore(%run_scoped3A : memref<!tpu.dma_semaphore, #tpu.memory_space<semaphore_mem>>)
        %dma_wait3A = arith.constant 0 : i32
        %dma_wait3A_40 = tpu.memref_slice %arg3[%add3A_24, %dma_wait3A] : memref<2560x128xi32, #tpu.memory_space<hbm>> -> memref<32x128xi32, #tpu.memory_space<hbm>>
        %dma_wait3A_41 = arith.constant 0 : i32
        %dma_wait3A_42 = tpu.memref_slice %arg3[%add3A_24, %dma_wait3A_41] : memref<2560x128xi32, #tpu.memory_space<hbm>> -> memref<32x128xi32, #tpu.memory_space<hbm>>
        tpu.wait_dma2 semaphore(%run_scoped3A : memref<!tpu.dma_semaphore, #tpu.memory_space<semaphore_mem>>) src(%dma_wait3A_42 : memref<32x128xi32, #tpu.memory_space<hbm>>) dst(%arg8 : memref<32x128xi32, #tpu.memory_space<vmem>>)
        tpu.yield
      }) : () -> ()
      %dma_start3A = arith.constant 0 : i32
      %dma_start3A_25 = arith.constant 0 : i32
      %dma_start3A_26 = tpu.memref_slice %arg7[%dma_start3A, %dma_start3A_25] : memref<32x128xi32, #tpu.memory_space<vmem>> -> memref<1x128xi32, #tpu.memory_space<vmem>>
      %dma_start3A_27 = tpu.memref_squeeze %dma_start3A_26 : memref<1x128xi32, #tpu.memory_space<vmem>> -> memref<128xi32, #tpu.memory_space<vmem>>
      %dma_start3A_28 = arith.constant 0 : i32
      %dma_start3A_29 = arith.constant 0 : i32
      %dma_start3A_30 = tpu.memref_slice %arg4[%dma_start3A_28, %dma_start3A_29] : memref<10000x128xf32, #tpu.memory_space<hbm>> -> memref<10000x128xf32, #tpu.memory_space<hbm>>
      tpu.enqueue_indirect_dma source(%dma_start3A_30 : memref<10000x128xf32, #tpu.memory_space<hbm>>) target(%arg9 : memref<128x128xf32, #tpu.memory_space<vmem>>) offsets(%dma_start3A_27 : memref<128xi32, #tpu.memory_space<vmem>>) semaphore(%arg12 : memref<!tpu.dma_semaphore, #tpu.memory_space<semaphore_mem>>)
      %scan3A = arith.constant 0 : i32
      %scan3A_31 = arith.constant 0 : i32
      %scan3A_32 = arith.constant 16 : i32
      %scan3A_33 = arith.addi %scan3A_31, %scan3A_32 : i32
      %scan3A_34 = arith.constant 1 : i32
      scf.for %scan3A_36 = %scan3A_31 to %scan3A_33 step %scan3A_34  : i32 {
        %mul3A_37 = arith.constant 2 : i32
        %mul3A_38 = arith.muli %mul3A_37, %scan3A_36 : i32
        %add3A_39 = arith.constant 1 : i32
        %add3A_40 = arith.addi %mul3A_38, %add3A_39 : i32
        %dma_start3A_41 = arith.constant 0 : i32
        %dma_start3A_42 = tpu.memref_slice %arg7[%add3A_40, %dma_start3A_41] : memref<32x128xi32, #tpu.memory_space<vmem>> -> memref<1x128xi32, #tpu.memory_space<vmem>>
        %dma_start3A_43 = tpu.memref_squeeze %dma_start3A_42 : memref<1x128xi32, #tpu.memory_space<vmem>> -> memref<128xi32, #tpu.memory_space<vmem>>
        %dma_start3A_44 = arith.constant 0 : i32
        %dma_start3A_45 = arith.constant 0 : i32
        %dma_start3A_46 = tpu.memref_slice %arg4[%dma_start3A_44, %dma_start3A_45] : memref<10000x128xf32, #tpu.memory_space<hbm>> -> memref<10000x128xf32, #tpu.memory_space<hbm>>
        tpu.enqueue_indirect_dma source(%dma_start3A_46 : memref<10000x128xf32, #tpu.memory_space<hbm>>) target(%arg10 : memref<128x128xf32, #tpu.memory_space<vmem>>) offsets(%dma_start3A_43 : memref<128xi32, #tpu.memory_space<vmem>>) semaphore(%arg13 : memref<!tpu.dma_semaphore, #tpu.memory_space<semaphore_mem>>)
        %dma_wait3A = arith.constant 0 : i32
        %dma_wait3A_47 = tpu.memref_slice %arg7[%mul3A_38, %dma_wait3A] : memref<32x128xi32, #tpu.memory_space<vmem>> -> memref<1x128xi32, #tpu.memory_space<vmem>>
        %dma_wait3A_48 = tpu.memref_squeeze %dma_wait3A_47 : memref<1x128xi32, #tpu.memory_space<vmem>> -> memref<128xi32, #tpu.memory_space<vmem>>
        %dma_wait3A_49 = arith.constant 0 : i32
        %dma_wait3A_50 = arith.constant 0 : i32
        %dma_wait3A_51 = tpu.memref_slice %arg4[%dma_wait3A_49, %dma_wait3A_50] : memref<10000x128xf32, #tpu.memory_space<hbm>> -> memref<10000x128xf32, #tpu.memory_space<hbm>>
        tpu.wait_indirect_dma semaphore(%arg12 : memref<!tpu.dma_semaphore, #tpu.memory_space<semaphore_mem>>) src(%dma_wait3A_51 : memref<10000x128xf32, #tpu.memory_space<hbm>>) dst(%arg9 : memref<128x128xf32, #tpu.memory_space<vmem>>)
        "tpu.region"() ({
          %run_scoped3A = tpu.sem_alloc : memref<!tpu.dma_semaphore, #tpu.memory_space<semaphore_mem>>
          %dma_start3A_66 = arith.constant 0 : i32
          %dma_start3A_67 = tpu.memref_slice %arg8[%mul3A_38, %dma_start3A_66] : memref<32x128xi32, #tpu.memory_space<vmem>> -> memref<1x128xi32, #tpu.memory_space<vmem>>
          %dma_start3A_68 = tpu.memref_squeeze %dma_start3A_67 : memref<1x128xi32, #tpu.memory_space<vmem>> -> memref<128xi32, #tpu.memory_space<vmem>>
          %dma_start3A_69 = arith.constant 0 : i32
          %dma_start3A_70 = arith.constant 0 : i32
          %dma_start3A_71 = tpu.memref_slice %arg11[%dma_start3A_69, %dma_start3A_70] : memref<10240x128xf32, #tpu.memory_space<vmem_shared>> -> memref<10240x128xf32, #tpu.memory_space<vmem_shared>>
          tpu.enqueue_indirect_dma source(%arg9 : memref<128x128xf32, #tpu.memory_space<vmem>>) target(%dma_start3A_71 : memref<10240x128xf32, #tpu.memory_space<vmem_shared>>) offsets(%dma_start3A_68 : memref<128xi32, #tpu.memory_space<vmem>>) semaphore(%run_scoped3A : memref<!tpu.dma_semaphore, #tpu.memory_space<semaphore_mem>>) {add = true}
          %dma_wait3A_72 = arith.constant 0 : i32
          %dma_wait3A_73 = tpu.memref_slice %arg8[%mul3A_38, %dma_wait3A_72] : memref<32x128xi32, #tpu.memory_space<vmem>> -> memref<1x128xi32, #tpu.memory_space<vmem>>
          %dma_wait3A_74 = tpu.memref_squeeze %dma_wait3A_73 : memref<1x128xi32, #tpu.memory_space<vmem>> -> memref<128xi32, #tpu.memory_space<vmem>>
          %dma_wait3A_75 = arith.constant 0 : i32
          %dma_wait3A_76 = arith.constant 0 : i32
          %dma_wait3A_77 = tpu.memref_slice %arg11[%dma_wait3A_75, %dma_wait3A_76] : memref<10240x128xf32, #tpu.memory_space<vmem_shared>> -> memref<10240x128xf32, #tpu.memory_space<vmem_shared>>
          tpu.wait_indirect_dma semaphore(%run_scoped3A : memref<!tpu.dma_semaphore, #tpu.memory_space<semaphore_mem>>) src(%arg9 : memref<128x128xf32, #tpu.memory_space<vmem>>) dst(%dma_wait3A_77 : memref<10240x128xf32, #tpu.memory_space<vmem_shared>>)
          tpu.yield
        }) : () -> ()
        %add3A_52 = arith.constant 2 : i32
        %add3A_53 = arith.addi %mul3A_38, %add3A_52 : i32
        %lt3A = arith.constant 32 : i32
        %lt3A_54 = arith.cmpi slt, %add3A_53, %lt3A : i32
        %convert_element_type3A = arith.extui %lt3A_54 : i1 to i32
        %cond3A = arith.constant 0 : i32
        %cond3A_55 = arith.cmpi ne, %convert_element_type3A, %cond3A : i32
        scf.if %cond3A_55 {
          %add3A_66 = arith.constant 2 : i32
          %add3A_67 = arith.addi %mul3A_38, %add3A_66 : i32
          %dma_start3A_68 = arith.constant 0 : i32
          %dma_start3A_69 = tpu.memref_slice %arg7[%add3A_67, %dma_start3A_68] : memref<32x128xi32, #tpu.memory_space<vmem>> -> memref<1x128xi32, #tpu.memory_space<vmem>>
          %dma_start3A_70 = tpu.memref_squeeze %dma_start3A_69 : memref<1x128xi32, #tpu.memory_space<vmem>> -> memref<128xi32, #tpu.memory_space<vmem>>
          %dma_start3A_71 = arith.constant 0 : i32
          %dma_start3A_72 = arith.constant 0 : i32
          %dma_start3A_73 = tpu.memref_slice %arg4[%dma_start3A_71, %dma_start3A_72] : memref<10000x128xf32, #tpu.memory_space<hbm>> -> memref<10000x128xf32, #tpu.memory_space<hbm>>
          tpu.enqueue_indirect_dma source(%dma_start3A_73 : memref<10000x128xf32, #tpu.memory_space<hbm>>) target(%arg9 : memref<128x128xf32, #tpu.memory_space<vmem>>) offsets(%dma_start3A_70 : memref<128xi32, #tpu.memory_space<vmem>>) semaphore(%arg12 : memref<!tpu.dma_semaphore, #tpu.memory_space<semaphore_mem>>)
        } else {
        }
        %add3A_56 = arith.constant 1 : i32
        %add3A_57 = arith.addi %mul3A_38, %add3A_56 : i32
        %dma_wait3A_58 = arith.constant 0 : i32
        %dma_wait3A_59 = tpu.memref_slice %arg7[%add3A_57, %dma_wait3A_58] : memref<32x128xi32, #tpu.memory_space<vmem>> -> memref<1x128xi32, #tpu.memory_space<vmem>>
        %dma_wait3A_60 = tpu.memref_squeeze %dma_wait3A_59 : memref<1x128xi32, #tpu.memory_space<vmem>> -> memref<128xi32, #tpu.memory_space<vmem>>
        %dma_wait3A_61 = arith.constant 0 : i32
        %dma_wait3A_62 = arith.constant 0 : i32
        %dma_wait3A_63 = tpu.memref_slice %arg4[%dma_wait3A_61, %dma_wait3A_62] : memref<10000x128xf32, #tpu.memory_space<hbm>> -> memref<10000x128xf32, #tpu.memory_space<hbm>>
        tpu.wait_indirect_dma semaphore(%arg13 : memref<!tpu.dma_semaphore, #tpu.memory_space<semaphore_mem>>) src(%dma_wait3A_63 : memref<10000x128xf32, #tpu.memory_space<hbm>>) dst(%arg10 : memref<128x128xf32, #tpu.memory_space<vmem>>)
        %add3A_64 = arith.constant 1 : i32
        %add3A_65 = arith.addi %mul3A_38, %add3A_64 : i32
        "tpu.region"() ({
          %run_scoped3A = tpu.sem_alloc : memref<!tpu.dma_semaphore, #tpu.memory_space<semaphore_mem>>
          %dma_start3A_66 = arith.constant 0 : i32
          %dma_start3A_67 = tpu.memref_slice %arg8[%add3A_65, %dma_start3A_66] : memref<32x128xi32, #tpu.memory_space<vmem>> -> memref<1x128xi32, #tpu.memory_space<vmem>>
          %dma_start3A_68 = tpu.memref_squeeze %dma_start3A_67 : memref<1x128xi32, #tpu.memory_space<vmem>> -> memref<128xi32, #tpu.memory_space<vmem>>
          %dma_start3A_69 = arith.constant 0 : i32
          %dma_start3A_70 = arith.constant 0 : i32
          %dma_start3A_71 = tpu.memref_slice %arg11[%dma_start3A_69, %dma_start3A_70] : memref<10240x128xf32, #tpu.memory_space<vmem_shared>> -> memref<10240x128xf32, #tpu.memory_space<vmem_shared>>
          tpu.enqueue_indirect_dma source(%arg10 : memref<128x128xf32, #tpu.memory_space<vmem>>) target(%dma_start3A_71 : memref<10240x128xf32, #tpu.memory_space<vmem_shared>>) offsets(%dma_start3A_68 : memref<128xi32, #tpu.memory_space<vmem>>) semaphore(%run_scoped3A : memref<!tpu.dma_semaphore, #tpu.memory_space<semaphore_mem>>) {add = true}
          %dma_wait3A_72 = arith.constant 0 : i32
          %dma_wait3A_73 = tpu.memref_slice %arg8[%add3A_65, %dma_wait3A_72] : memref<32x128xi32, #tpu.memory_space<vmem>> -> memref<1x128xi32, #tpu.memory_space<vmem>>
          %dma_wait3A_74 = tpu.memref_squeeze %dma_wait3A_73 : memref<1x128xi32, #tpu.memory_space<vmem>> -> memref<128xi32, #tpu.memory_space<vmem>>
          %dma_wait3A_75 = arith.constant 0 : i32
          %dma_wait3A_76 = arith.constant 0 : i32
          %dma_wait3A_77 = tpu.memref_slice %arg11[%dma_wait3A_75, %dma_wait3A_76] : memref<10240x128xf32, #tpu.memory_space<vmem_shared>> -> memref<10240x128xf32, #tpu.memory_space<vmem_shared>>
          tpu.wait_indirect_dma semaphore(%run_scoped3A : memref<!tpu.dma_semaphore, #tpu.memory_space<semaphore_mem>>) src(%arg10 : memref<128x128xf32, #tpu.memory_space<vmem>>) dst(%dma_wait3A_77 : memref<10240x128xf32, #tpu.memory_space<vmem_shared>>)
          tpu.yield
        }) : () -> ()
      }
      %scan3A_35 = arith.constant 16 : i32
    }
    %while3A_19 = arith.constant 1 : i32
    scf.for %while3A_21 = %while3A_17 to %while3A_13 step %while3A_19  : i32 {
      %mul3A_22 = arith.constant 32 : i32
      %mul3A_23 = arith.muli %while3A_21, %mul3A_22 : i32
      %add3A_24 = arith.addi %select_n3A_10, %mul3A_23 : i32
      "tpu.region"() ({
        %run_scoped3A = tpu.sem_alloc : memref<!tpu.dma_semaphore, #tpu.memory_space<semaphore_mem>>
        %dma_start3A_36 = arith.constant 0 : i32
        %dma_start3A_37 = tpu.memref_slice %arg2[%add3A_24, %dma_start3A_36] : memref<2560x128xi32, #tpu.memory_space<hbm>> -> memref<32x128xi32, #tpu.memory_space<hbm>>
        %dma_start3A_38 = arith.constant 0 : i32
        %dma_start3A_39 = tpu.memref_slice %arg2[%add3A_24, %dma_start3A_38] : memref<2560x128xi32, #tpu.memory_space<hbm>> -> memref<32x128xi32, #tpu.memory_space<hbm>>
        tpu.enqueue_dma source(%dma_start3A_39 : memref<32x128xi32, #tpu.memory_space<hbm>>) target(%arg7 : memref<32x128xi32, #tpu.memory_space<vmem>>) target_semaphore(%run_scoped3A : memref<!tpu.dma_semaphore, #tpu.memory_space<semaphore_mem>>)
        %dma_wait3A = arith.constant 0 : i32
        %dma_wait3A_40 = tpu.memref_slice %arg2[%add3A_24, %dma_wait3A] : memref<2560x128xi32, #tpu.memory_space<hbm>> -> memref<32x128xi32, #tpu.memory_space<hbm>>
        %dma_wait3A_41 = arith.constant 0 : i32
        %dma_wait3A_42 = tpu.memref_slice %arg2[%add3A_24, %dma_wait3A_41] : memref<2560x128xi32, #tpu.memory_space<hbm>> -> memref<32x128xi32, #tpu.memory_space<hbm>>
        tpu.wait_dma2 semaphore(%run_scoped3A : memref<!tpu.dma_semaphore, #tpu.memory_space<semaphore_mem>>) src(%dma_wait3A_42 : memref<32x128xi32, #tpu.memory_space<hbm>>) dst(%arg7 : memref<32x128xi32, #tpu.memory_space<vmem>>)
        tpu.yield
      }) : () -> ()
      "tpu.region"() ({
        %run_scoped3A = tpu.sem_alloc : memref<!tpu.dma_semaphore, #tpu.memory_space<semaphore_mem>>
        %dma_start3A_36 = arith.constant 0 : i32
        %dma_start3A_37 = tpu.memref_slice %arg3[%add3A_24, %dma_start3A_36] : memref<2560x128xi32, #tpu.memory_space<hbm>> -> memref<32x128xi32, #tpu.memory_space<hbm>>
        %dma_start3A_38 = arith.constant 0 : i32
        %dma_start3A_39 = tpu.memref_slice %arg3[%add3A_24, %dma_start3A_38] : memref<2560x128xi32, #tpu.memory_space<hbm>> -> memref<32x128xi32, #tpu.memory_space<hbm>>
        tpu.enqueue_dma source(%dma_start3A_39 : memref<32x128xi32, #tpu.memory_space<hbm>>) target(%arg8 : memref<32x128xi32, #tpu.memory_space<vmem>>) target_semaphore(%run_scoped3A : memref<!tpu.dma_semaphore, #tpu.memory_space<semaphore_mem>>)
        %dma_wait3A = arith.constant 0 : i32
        %dma_wait3A_40 = tpu.memref_slice %arg3[%add3A_24, %dma_wait3A] : memref<2560x128xi32, #tpu.memory_space<hbm>> -> memref<32x128xi32, #tpu.memory_space<hbm>>
        %dma_wait3A_41 = arith.constant 0 : i32
        %dma_wait3A_42 = tpu.memref_slice %arg3[%add3A_24, %dma_wait3A_41] : memref<2560x128xi32, #tpu.memory_space<hbm>> -> memref<32x128xi32, #tpu.memory_space<hbm>>
        tpu.wait_dma2 semaphore(%run_scoped3A : memref<!tpu.dma_semaphore, #tpu.memory_space<semaphore_mem>>) src(%dma_wait3A_42 : memref<32x128xi32, #tpu.memory_space<hbm>>) dst(%arg8 : memref<32x128xi32, #tpu.memory_space<vmem>>)
        tpu.yield
      }) : () -> ()
      %dma_start3A = arith.constant 0 : i32
      %dma_start3A_25 = arith.constant 0 : i32
      %dma_start3A_26 = tpu.memref_slice %arg7[%dma_start3A, %dma_start3A_25] : memref<32x128xi32, #tpu.memory_space<vmem>> -> memref<1x128xi32, #tpu.memory_space<vmem>>
      %dma_start3A_27 = tpu.memref_squeeze %dma_start3A_26 : memref<1x128xi32, #tpu.memory_space<vmem>> -> memref<128xi32, #tpu.memory_space<vmem>>
      %dma_start3A_28 = arith.constant 0 : i32
      %dma_start3A_29 = arith.constant 0 : i32
      %dma_start3A_30 = tpu.memref_slice %arg4[%dma_start3A_28, %dma_start3A_29] : memref<10000x128xf32, #tpu.memory_space<hbm>> -> memref<10000x128xf32, #tpu.memory_space<hbm>>
      tpu.enqueue_indirect_dma source(%dma_start3A_30 : memref<10000x128xf32, #tpu.memory_space<hbm>>) target(%arg9 : memref<128x128xf32, #tpu.memory_space<vmem>>) offsets(%dma_start3A_27 : memref<128xi32, #tpu.memory_space<vmem>>) semaphore(%arg12 : memref<!tpu.dma_semaphore, #tpu.memory_space<semaphore_mem>>)
      %scan3A = arith.constant 0 : i32
      %scan3A_31 = arith.constant 0 : i32
      %scan3A_32 = arith.constant 16 : i32
      %scan3A_33 = arith.addi %scan3A_31, %scan3A_32 : i32
      %scan3A_34 = arith.constant 1 : i32
      scf.for %scan3A_36 = %scan3A_31 to %scan3A_33 step %scan3A_34  : i32 {
        %mul3A_37 = arith.constant 2 : i32
        %mul3A_38 = arith.muli %mul3A_37, %scan3A_36 : i32
        %add3A_39 = arith.constant 1 : i32
        %add3A_40 = arith.addi %mul3A_38, %add3A_39 : i32
        %dma_start3A_41 = arith.constant 0 : i32
        %dma_start3A_42 = tpu.memref_slice %arg7[%add3A_40, %dma_start3A_41] : memref<32x128xi32, #tpu.memory_space<vmem>> -> memref<1x128xi32, #tpu.memory_space<vmem>>
        %dma_start3A_43 = tpu.memref_squeeze %dma_start3A_42 : memref<1x128xi32, #tpu.memory_space<vmem>> -> memref<128xi32, #tpu.memory_space<vmem>>
        %dma_start3A_44 = arith.constant 0 : i32
        %dma_start3A_45 = arith.constant 0 : i32
        %dma_start3A_46 = tpu.memref_slice %arg4[%dma_start3A_44, %dma_start3A_45] : memref<10000x128xf32, #tpu.memory_space<hbm>> -> memref<10000x128xf32, #tpu.memory_space<hbm>>
        tpu.enqueue_indirect_dma source(%dma_start3A_46 : memref<10000x128xf32, #tpu.memory_space<hbm>>) target(%arg10 : memref<128x128xf32, #tpu.memory_space<vmem>>) offsets(%dma_start3A_43 : memref<128xi32, #tpu.memory_space<vmem>>) semaphore(%arg13 : memref<!tpu.dma_semaphore, #tpu.memory_space<semaphore_mem>>)
        %dma_wait3A = arith.constant 0 : i32
        %dma_wait3A_47 = tpu.memref_slice %arg7[%mul3A_38, %dma_wait3A] : memref<32x128xi32, #tpu.memory_space<vmem>> -> memref<1x128xi32, #tpu.memory_space<vmem>>
        %dma_wait3A_48 = tpu.memref_squeeze %dma_wait3A_47 : memref<1x128xi32, #tpu.memory_space<vmem>> -> memref<128xi32, #tpu.memory_space<vmem>>
        %dma_wait3A_49 = arith.constant 0 : i32
        %dma_wait3A_50 = arith.constant 0 : i32
        %dma_wait3A_51 = tpu.memref_slice %arg4[%dma_wait3A_49, %dma_wait3A_50] : memref<10000x128xf32, #tpu.memory_space<hbm>> -> memref<10000x128xf32, #tpu.memory_space<hbm>>
        tpu.wait_indirect_dma semaphore(%arg12 : memref<!tpu.dma_semaphore, #tpu.memory_space<semaphore_mem>>) src(%dma_wait3A_51 : memref<10000x128xf32, #tpu.memory_space<hbm>>) dst(%arg9 : memref<128x128xf32, #tpu.memory_space<vmem>>)
        "tpu.region"() ({
          %run_scoped3A = tpu.sem_alloc : memref<!tpu.dma_semaphore, #tpu.memory_space<semaphore_mem>>
          %dma_start3A_66 = arith.constant 0 : i32
          %dma_start3A_67 = tpu.memref_slice %arg8[%mul3A_38, %dma_start3A_66] : memref<32x128xi32, #tpu.memory_space<vmem>> -> memref<1x128xi32, #tpu.memory_space<vmem>>
          %dma_start3A_68 = tpu.memref_squeeze %dma_start3A_67 : memref<1x128xi32, #tpu.memory_space<vmem>> -> memref<128xi32, #tpu.memory_space<vmem>>
          %dma_start3A_69 = arith.constant 0 : i32
          %dma_start3A_70 = arith.constant 0 : i32
          %dma_start3A_71 = tpu.memref_slice %arg11[%dma_start3A_69, %dma_start3A_70] : memref<10240x128xf32, #tpu.memory_space<vmem_shared>> -> memref<10240x128xf32, #tpu.memory_space<vmem_shared>>
          tpu.enqueue_indirect_dma source(%arg9 : memref<128x128xf32, #tpu.memory_space<vmem>>) target(%dma_start3A_71 : memref<10240x128xf32, #tpu.memory_space<vmem_shared>>) offsets(%dma_start3A_68 : memref<128xi32, #tpu.memory_space<vmem>>) semaphore(%run_scoped3A : memref<!tpu.dma_semaphore, #tpu.memory_space<semaphore_mem>>) {add = true}
          %dma_wait3A_72 = arith.constant 0 : i32
          %dma_wait3A_73 = tpu.memref_slice %arg8[%mul3A_38, %dma_wait3A_72] : memref<32x128xi32, #tpu.memory_space<vmem>> -> memref<1x128xi32, #tpu.memory_space<vmem>>
          %dma_wait3A_74 = tpu.memref_squeeze %dma_wait3A_73 : memref<1x128xi32, #tpu.memory_space<vmem>> -> memref<128xi32, #tpu.memory_space<vmem>>
          %dma_wait3A_75 = arith.constant 0 : i32
          %dma_wait3A_76 = arith.constant 0 : i32
          %dma_wait3A_77 = tpu.memref_slice %arg11[%dma_wait3A_75, %dma_wait3A_76] : memref<10240x128xf32, #tpu.memory_space<vmem_shared>> -> memref<10240x128xf32, #tpu.memory_space<vmem_shared>>
          tpu.wait_indirect_dma semaphore(%run_scoped3A : memref<!tpu.dma_semaphore, #tpu.memory_space<semaphore_mem>>) src(%arg9 : memref<128x128xf32, #tpu.memory_space<vmem>>) dst(%dma_wait3A_77 : memref<10240x128xf32, #tpu.memory_space<vmem_shared>>)
          tpu.yield
        }) : () -> ()
        %add3A_52 = arith.constant 2 : i32
        %add3A_53 = arith.addi %mul3A_38, %add3A_52 : i32
        %lt3A = arith.constant 32 : i32
        %lt3A_54 = arith.cmpi slt, %add3A_53, %lt3A : i32
        %convert_element_type3A = arith.extui %lt3A_54 : i1 to i32
        %cond3A = arith.constant 0 : i32
        %cond3A_55 = arith.cmpi ne, %convert_element_type3A, %cond3A : i32
        scf.if %cond3A_55 {
          %add3A_66 = arith.constant 2 : i32
          %add3A_67 = arith.addi %mul3A_38, %add3A_66 : i32
          %dma_start3A_68 = arith.constant 0 : i32
          %dma_start3A_69 = tpu.memref_slice %arg7[%add3A_67, %dma_start3A_68] : memref<32x128xi32, #tpu.memory_space<vmem>> -> memref<1x128xi32, #tpu.memory_space<vmem>>
          %dma_start3A_70 = tpu.memref_squeeze %dma_start3A_69 : memref<1x128xi32, #tpu.memory_space<vmem>> -> memref<128xi32, #tpu.memory_space<vmem>>
          %dma_start3A_71 = arith.constant 0 : i32
          %dma_start3A_72 = arith.constant 0 : i32
          %dma_start3A_73 = tpu.memref_slice %arg4[%dma_start3A_71, %dma_start3A_72] : memref<10000x128xf32, #tpu.memory_space<hbm>> -> memref<10000x128xf32, #tpu.memory_space<hbm>>
          tpu.enqueue_indirect_dma source(%dma_start3A_73 : memref<10000x128xf32, #tpu.memory_space<hbm>>) target(%arg9 : memref<128x128xf32, #tpu.memory_space<vmem>>) offsets(%dma_start3A_70 : memref<128xi32, #tpu.memory_space<vmem>>) semaphore(%arg12 : memref<!tpu.dma_semaphore, #tpu.memory_space<semaphore_mem>>)
        } else {
        }
        %add3A_56 = arith.constant 1 : i32
        %add3A_57 = arith.addi %mul3A_38, %add3A_56 : i32
        %dma_wait3A_58 = arith.constant 0 : i32
        %dma_wait3A_59 = tpu.memref_slice %arg7[%add3A_57, %dma_wait3A_58] : memref<32x128xi32, #tpu.memory_space<vmem>> -> memref<1x128xi32, #tpu.memory_space<vmem>>
        %dma_wait3A_60 = tpu.memref_squeeze %dma_wait3A_59 : memref<1x128xi32, #tpu.memory_space<vmem>> -> memref<128xi32, #tpu.memory_space<vmem>>
        %dma_wait3A_61 = arith.constant 0 : i32
        %dma_wait3A_62 = arith.constant 0 : i32
        %dma_wait3A_63 = tpu.memref_slice %arg4[%dma_wait3A_61, %dma_wait3A_62] : memref<10000x128xf32, #tpu.memory_space<hbm>> -> memref<10000x128xf32, #tpu.memory_space<hbm>>
        tpu.wait_indirect_dma semaphore(%arg13 : memref<!tpu.dma_semaphore, #tpu.memory_space<semaphore_mem>>) src(%dma_wait3A_63 : memref<10000x128xf32, #tpu.memory_space<hbm>>) dst(%arg10 : memref<128x128xf32, #tpu.memory_space<vmem>>)
        %add3A_64 = arith.constant 1 : i32
        %add3A_65 = arith.addi %mul3A_38, %add3A_64 : i32
        "tpu.region"() ({
          %run_scoped3A = tpu.sem_alloc : memref<!tpu.dma_semaphore, #tpu.memory_space<semaphore_mem>>
          %dma_start3A_66 = arith.constant 0 : i32
          %dma_start3A_67 = tpu.memref_slice %arg8[%add3A_65, %dma_start3A_66] : memref<32x128xi32, #tpu.memory_space<vmem>> -> memref<1x128xi32, #tpu.memory_space<vmem>>
          %dma_start3A_68 = tpu.memref_squeeze %dma_start3A_67 : memref<1x128xi32, #tpu.memory_space<vmem>> -> memref<128xi32, #tpu.memory_space<vmem>>
          %dma_start3A_69 = arith.constant 0 : i32
          %dma_start3A_70 = arith.constant 0 : i32
          %dma_start3A_71 = tpu.memref_slice %arg11[%dma_start3A_69, %dma_start3A_70] : memref<10240x128xf32, #tpu.memory_space<vmem_shared>> -> memref<10240x128xf32, #tpu.memory_space<vmem_shared>>
          tpu.enqueue_indirect_dma source(%arg10 : memref<128x128xf32, #tpu.memory_space<vmem>>) target(%dma_start3A_71 : memref<10240x128xf32, #tpu.memory_space<vmem_shared>>) offsets(%dma_start3A_68 : memref<128xi32, #tpu.memory_space<vmem>>) semaphore(%run_scoped3A : memref<!tpu.dma_semaphore, #tpu.memory_space<semaphore_mem>>) {add = true}
          %dma_wait3A_72 = arith.constant 0 : i32
          %dma_wait3A_73 = tpu.memref_slice %arg8[%add3A_65, %dma_wait3A_72] : memref<32x128xi32, #tpu.memory_space<vmem>> -> memref<1x128xi32, #tpu.memory_space<vmem>>
          %dma_wait3A_74 = tpu.memref_squeeze %dma_wait3A_73 : memref<1x128xi32, #tpu.memory_space<vmem>> -> memref<128xi32, #tpu.memory_space<vmem>>
          %dma_wait3A_75 = arith.constant 0 : i32
          %dma_wait3A_76 = arith.constant 0 : i32
          %dma_wait3A_77 = tpu.memref_slice %arg11[%dma_wait3A_75, %dma_wait3A_76] : memref<10240x128xf32, #tpu.memory_space<vmem_shared>> -> memref<10240x128xf32, #tpu.memory_space<vmem_shared>>
          tpu.wait_indirect_dma semaphore(%run_scoped3A : memref<!tpu.dma_semaphore, #tpu.memory_space<semaphore_mem>>) src(%arg10 : memref<128x128xf32, #tpu.memory_space<vmem>>) dst(%dma_wait3A_77 : memref<10240x128xf32, #tpu.memory_space<vmem_shared>>)
          tpu.yield
        }) : () -> ()
      }
      %scan3A_35 = arith.constant 16 : i32
    }
    %barrier3A_20 = arith.constant 0 : index
    tpu.barrier barrier_id(%barrier3A_20)
    "tpu.region"() ({
      %run_scoped3A = tpu.sem_alloc : memref<!tpu.dma_semaphore, #tpu.memory_space<semaphore_mem>>
      %dma_start3A = arith.constant 0 : i32
      %dma_start3A_21 = arith.constant 0 : i32
      %dma_start3A_22 = tpu.memref_slice %arg6[%arg0, %dma_start3A, %dma_start3A_21] : memref<2x10240x128xf32, #tpu.memory_space<hbm>> -> memref<1x10240x128xf32, #tpu.memory_space<hbm>>
      %dma_start3A_23 = tpu.memref_squeeze %dma_start3A_22 : memref<1x10240x128xf32, #tpu.memory_space<hbm>> -> memref<10240x128xf32, #tpu.memory_space<hbm>>
      %dma_start3A_24 = arith.constant 0 : i32
      %dma_start3A_25 = tpu.memref_slice %dma_start3A_23[%mul3A_0, %dma_start3A_24] : memref<10240x128xf32, #tpu.memory_space<hbm>> -> memref<640x128xf32, #tpu.memory_space<hbm>>
      %dma_start3A_26 = arith.constant 0 : i32
      %dma_start3A_27 = tpu.memref_slice %arg11[%mul3A_0, %dma_start3A_26] : memref<10240x128xf32, #tpu.memory_space<vmem_shared>> -> memref<640x128xf32, #tpu.memory_space<vmem_shared>>
      tpu.enqueue_dma source(%dma_start3A_27 : memref<640x128xf32, #tpu.memory_space<vmem_shared>>) target(%dma_start3A_25 : memref<640x128xf32, #tpu.memory_space<hbm>>) target_semaphore(%run_scoped3A : memref<!tpu.dma_semaphore, #tpu.memory_space<semaphore_mem>>)
      %dma_wait3A = arith.constant 0 : i32
      %dma_wait3A_28 = arith.constant 0 : i32
      %dma_wait3A_29 = tpu.memref_slice %arg6[%arg0, %dma_wait3A, %dma_wait3A_28] : memref<2x10240x128xf32, #tpu.memory_space<hbm>> -> memref<1x10240x128xf32, #tpu.memory_space<hbm>>
      %dma_wait3A_30 = tpu.memref_squeeze %dma_wait3A_29 : memref<1x10240x128xf32, #tpu.memory_space<hbm>> -> memref<10240x128xf32, #tpu.memory_space<hbm>>
      %dma_wait3A_31 = arith.constant 0 : i32
      %dma_wait3A_32 = tpu.memref_slice %dma_wait3A_30[%mul3A_0, %dma_wait3A_31] : memref<10240x128xf32, #tpu.memory_space<hbm>> -> memref<640x128xf32, #tpu.memory_space<hbm>>
      %dma_wait3A_33 = arith.constant 0 : i32
      %dma_wait3A_34 = tpu.memref_slice %arg11[%mul3A_0, %dma_wait3A_33] : memref<10240x128xf32, #tpu.memory_space<vmem_shared>> -> memref<640x128xf32, #tpu.memory_space<vmem_shared>>
      tpu.wait_dma2 semaphore(%run_scoped3A : memref<!tpu.dma_semaphore, #tpu.memory_space<semaphore_mem>>) src(%dma_wait3A_34 : memref<640x128xf32, #tpu.memory_space<vmem_shared>>) dst(%dma_wait3A_32 : memref<640x128xf32, #tpu.memory_space<hbm>>)
      tpu.yield
    }) : () -> ()
    return
  }
}

module attributes {stable_mosaic.version = 14 : i64} {
  func.func @_mm2_body(%arg0: i32, %arg1: memref<2000x128xf32, #tpu.memory_space<vmem>>, %arg2: memref<128x128xf32, #tpu.memory_space<vmem>>, %arg3: memref<128x128xf32, #tpu.memory_space<vmem>>, %arg4: memref<1x128xf32, #tpu.memory_space<vmem>>, %arg5: memref<2000x128xf32, #tpu.memory_space<vmem>>, %arg6: memref<2000x128xf32, #tpu.memory_space<vmem>>) attributes {dimension_semantics = [#tpu.dimension_semantics<arbitrary>], iteration_bounds = array<i64: 5>, scalar_prefetch = 0 : i64, scratch_operands = 0 : i64, tpu.core_type = #tpu.core_type<tc>, window_params = [{transform_indices = @transform_0, window_bounds = array<i64: 2000, 128>}, {pipeline_mode = #tpu.pipeline_mode<synchronous>, transform_indices = @transform_1, window_bounds = array<i64: 128, 128>}, {pipeline_mode = #tpu.pipeline_mode<synchronous>, transform_indices = @transform_2, window_bounds = array<i64: 128, 128>}, {pipeline_mode = #tpu.pipeline_mode<synchronous>, transform_indices = @transform_3, window_bounds = array<i64: 1, 128>}, {transform_indices = @transform_4, window_bounds = array<i64: 2000, 128>}, {transform_indices = @transform_5, window_bounds = array<i64: 2000, 128>}]} {
    %get3A = arith.constant 0 : index
    %get3A_0 = arith.constant 0 : index
    %get3A_1 = vector.load %arg1[%get3A, %get3A_0] : memref<2000x128xf32, #tpu.memory_space<vmem>>, vector<2000x128xf32>
    %get3A_2 = arith.constant 0 : index
    %get3A_3 = arith.constant 0 : index
    %get3A_4 = vector.load %arg2[%get3A_2, %get3A_3] : memref<128x128xf32, #tpu.memory_space<vmem>>, vector<128x128xf32>
    %dot_general3A = arith.constant dense<0.000000e+00> : vector<2000x128xf32>
    %dot_general3A_5 = tpu.matmul %get3A_1, %get3A_4, %dot_general3A {dimension_numbers = #tpu.dot_dimension_numbers<[1], [1], [0], [0], [0, 0, 1, 0], [], []>, transpose_lhs_hint = false} : vector<2000x128xf32>, vector<128x128xf32>, vector<2000x128xf32> -> vector<2000x128xf32>
    %swap3A = arith.constant 0 : index
    %swap3A_6 = arith.constant 0 : index
    %swap3A_7 = vector.load %arg5[%swap3A, %swap3A_6] : memref<2000x128xf32, #tpu.memory_space<vmem>>, vector<2000x128xf32>
    tpu.vector_store %arg5[%swap3A, %swap3A_6], %dot_general3A_5 {strides = array<i32>} : memref<2000x128xf32, #tpu.memory_space<vmem>>, vector<2000x128xf32>,
    %get3A_8 = arith.constant 0 : index
    %get3A_9 = arith.constant 0 : index
    %get3A_10 = vector.load %arg3[%get3A_8, %get3A_9] : memref<128x128xf32, #tpu.memory_space<vmem>>, vector<128x128xf32>
    %dot_general3A_11 = arith.constant dense<0.000000e+00> : vector<2000x128xf32>
    %dot_general3A_12 = tpu.matmul %get3A_1, %get3A_10, %dot_general3A_11 {dimension_numbers = #tpu.dot_dimension_numbers<[1], [1], [0], [0], [0, 0, 1, 0], [], []>, transpose_lhs_hint = false} : vector<2000x128xf32>, vector<128x128xf32>, vector<2000x128xf32> -> vector<2000x128xf32>
    %get3A_13 = arith.constant 0 : index
    %get3A_14 = arith.constant 0 : index
    %get3A_15 = vector.load %arg4[%get3A_13, %get3A_14] : memref<1x128xf32, #tpu.memory_space<vmem>>, vector<1x128xf32>
    %add3A = vector.broadcast %get3A_15 : vector<1x128xf32> to vector<2000x128xf32>
    %add3A_16 = arith.addf %dot_general3A_12, %add3A : vector<2000x128xf32>
    %swap3A_17 = arith.constant 0 : index
    %swap3A_18 = arith.constant 0 : index
    %swap3A_19 = vector.load %arg6[%swap3A_17, %swap3A_18] : memref<2000x128xf32, #tpu.memory_space<vmem>>, vector<2000x128xf32>
    tpu.vector_store %arg6[%swap3A_17, %swap3A_18], %add3A_16 {strides = array<i32>} : memref<2000x128xf32, #tpu.memory_space<vmem>>, vector<2000x128xf32>,
    return
  }
  func.func @transform_0(%arg0: i32) -> (i32, i32) {
    %c0_i32 = arith.constant 0 : i32
    %c0_i32_0 = arith.constant 0 : i32
    return %arg0, %c0_i32 : i32, i32
  }
  func.func @transform_1(%arg0: i32) -> (i32, i32) {
    %c0_i32 = arith.constant 0 : i32
    %c0_i32_0 = arith.constant 0 : i32
    %c0_i32_1 = arith.constant 0 : i32
    return %c0_i32, %c0_i32_0 : i32, i32
  }
  func.func @transform_2(%arg0: i32) -> (i32, i32) {
    %c0_i32 = arith.constant 0 : i32
    %c0_i32_0 = arith.constant 0 : i32
    %c0_i32_1 = arith.constant 0 : i32
    return %c0_i32, %c0_i32_0 : i32, i32
  }
  func.func @transform_3(%arg0: i32) -> (i32, i32) {
    %c0_i32 = arith.constant 0 : i32
    %c0_i32_0 = arith.constant 0 : i32
    %c0_i32_1 = arith.constant 0 : i32
    return %c0_i32, %c0_i32_0 : i32, i32
  }
  func.func @transform_4(%arg0: i32) -> (i32, i32) {
    %c0_i32 = arith.constant 0 : i32
    %c0_i32_0 = arith.constant 0 : i32
    return %arg0, %c0_i32 : i32, i32
  }
  func.func @transform_5(%arg0: i32) -> (i32, i32) {
    %c0_i32 = arith.constant 0 : i32
    %c0_i32_0 = arith.constant 0 : i32
    return %arg0, %c0_i32 : i32, i32
  }
}

module attributes {stable_mosaic.version = 14 : i64} {
  func.func @_comb_mm2_body(%arg0: i32, %arg1: memref<2000x128xf32, #tpu.memory_space<vmem>>, %arg2: memref<2000x128xf32, #tpu.memory_space<vmem>>, %arg3: memref<2000x128xf32, #tpu.memory_space<vmem>>, %arg4: memref<128x128xf32, #tpu.memory_space<vmem>>, %arg5: memref<128x128xf32, #tpu.memory_space<vmem>>, %arg6: memref<1x128xf32, #tpu.memory_space<vmem>>, %arg7: memref<2000x128xf32, #tpu.memory_space<vmem>>, %arg8: memref<2000x128xf32, #tpu.memory_space<vmem>>) attributes {dimension_semantics = [#tpu.dimension_semantics<arbitrary>], iteration_bounds = array<i64: 5>, scalar_prefetch = 0 : i64, scratch_operands = 0 : i64, tpu.core_type = #tpu.core_type<tc>, window_params = [{transform_indices = @transform_0, window_bounds = array<i64: 2000, 128>}, {transform_indices = @transform_1, window_bounds = array<i64: 2000, 128>}, {transform_indices = @transform_2, window_bounds = array<i64: 2000, 128>}, {pipeline_mode = #tpu.pipeline_mode<synchronous>, transform_indices = @transform_3, window_bounds = array<i64: 128, 128>}, {pipeline_mode = #tpu.pipeline_mode<synchronous>, transform_indices = @transform_4, window_bounds = array<i64: 128, 128>}, {pipeline_mode = #tpu.pipeline_mode<synchronous>, transform_indices = @transform_5, window_bounds = array<i64: 1, 128>}, {transform_indices = @transform_6, window_bounds = array<i64: 2000, 128>}, {transform_indices = @transform_7, window_bounds = array<i64: 2000, 128>}]} {
    %get3A = arith.constant 0 : index
    %get3A_0 = arith.constant 0 : index
    %get3A_1 = vector.load %arg1[%get3A, %get3A_0] : memref<2000x128xf32, #tpu.memory_space<vmem>>, vector<2000x128xf32>
    %get3A_2 = arith.constant 0 : index
    %get3A_3 = arith.constant 0 : index
    %get3A_4 = vector.load %arg2[%get3A_2, %get3A_3] : memref<2000x128xf32, #tpu.memory_space<vmem>>, vector<2000x128xf32>
    %add3A = arith.addf %get3A_1, %get3A_4 : vector<2000x128xf32>
    %get3A_5 = arith.constant 0 : index
    %get3A_6 = arith.constant 0 : index
    %get3A_7 = vector.load %arg3[%get3A_5, %get3A_6] : memref<2000x128xf32, #tpu.memory_space<vmem>>, vector<2000x128xf32>
    %add3A_8 = arith.addf %add3A, %get3A_7 : vector<2000x128xf32>
    %max3A = arith.constant 0.000000e+00 : f32
    %max3A_9 = vector.broadcast %max3A : f32 to vector<2000x128xf32>
    %max3A_10 = arith.maximumf %add3A_8, %max3A_9 : vector<2000x128xf32>
    %get3A_11 = arith.constant 0 : index
    %get3A_12 = arith.constant 0 : index
    %get3A_13 = vector.load %arg4[%get3A_11, %get3A_12] : memref<128x128xf32, #tpu.memory_space<vmem>>, vector<128x128xf32>
    %dot_general3A = arith.constant dense<0.000000e+00> : vector<2000x128xf32>
    %dot_general3A_14 = tpu.matmul %max3A_10, %get3A_13, %dot_general3A {dimension_numbers = #tpu.dot_dimension_numbers<[1], [1], [0], [0], [0, 0, 1, 0], [], []>, transpose_lhs_hint = false} : vector<2000x128xf32>, vector<128x128xf32>, vector<2000x128xf32> -> vector<2000x128xf32>
    %swap3A = arith.constant 0 : index
    %swap3A_15 = arith.constant 0 : index
    %swap3A_16 = vector.load %arg7[%swap3A, %swap3A_15] : memref<2000x128xf32, #tpu.memory_space<vmem>>, vector<2000x128xf32>
    tpu.vector_store %arg7[%swap3A, %swap3A_15], %dot_general3A_14 {strides = array<i32>} : memref<2000x128xf32, #tpu.memory_space<vmem>>, vector<2000x128xf32>,
    %get3A_17 = arith.constant 0 : index
    %get3A_18 = arith.constant 0 : index
    %get3A_19 = vector.load %arg5[%get3A_17, %get3A_18] : memref<128x128xf32, #tpu.memory_space<vmem>>, vector<128x128xf32>
    %dot_general3A_20 = arith.constant dense<0.000000e+00> : vector<2000x128xf32>
    %dot_general3A_21 = tpu.matmul %max3A_10, %get3A_19, %dot_general3A_20 {dimension_numbers = #tpu.dot_dimension_numbers<[1], [1], [0], [0], [0, 0, 1, 0], [], []>, transpose_lhs_hint = false} : vector<2000x128xf32>, vector<128x128xf32>, vector<2000x128xf32> -> vector<2000x128xf32>
    %get3A_22 = arith.constant 0 : index
    %get3A_23 = arith.constant 0 : index
    %get3A_24 = vector.load %arg6[%get3A_22, %get3A_23] : memref<1x128xf32, #tpu.memory_space<vmem>>, vector<1x128xf32>
    %add3A_25 = vector.broadcast %get3A_24 : vector<1x128xf32> to vector<2000x128xf32>
    %add3A_26 = arith.addf %dot_general3A_21, %add3A_25 : vector<2000x128xf32>
    %swap3A_27 = arith.constant 0 : index
    %swap3A_28 = arith.constant 0 : index
    %swap3A_29 = vector.load %arg8[%swap3A_27, %swap3A_28] : memref<2000x128xf32, #tpu.memory_space<vmem>>, vector<2000x128xf32>
    tpu.vector_store %arg8[%swap3A_27, %swap3A_28], %add3A_26 {strides = array<i32>} : memref<2000x128xf32, #tpu.memory_space<vmem>>, vector<2000x128xf32>,
    return
  }
  func.func @transform_0(%arg0: i32) -> (i32, i32) {
    %c0_i32 = arith.constant 0 : i32
    %c0_i32_0 = arith.constant 0 : i32
    return %arg0, %c0_i32 : i32, i32
  }
  func.func @transform_1(%arg0: i32) -> (i32, i32) {
    %c0_i32 = arith.constant 0 : i32
    %c0_i32_0 = arith.constant 0 : i32
    return %arg0, %c0_i32 : i32, i32
  }
  func.func @transform_2(%arg0: i32) -> (i32, i32) {
    %c0_i32 = arith.constant 0 : i32
    %c0_i32_0 = arith.constant 0 : i32
    return %arg0, %c0_i32 : i32, i32
  }
  func.func @transform_3(%arg0: i32) -> (i32, i32) {
    %c0_i32 = arith.constant 0 : i32
    %c0_i32_0 = arith.constant 0 : i32
    %c0_i32_1 = arith.constant 0 : i32
    return %c0_i32, %c0_i32_0 : i32, i32
  }
  func.func @transform_4(%arg0: i32) -> (i32, i32) {
    %c0_i32 = arith.constant 0 : i32
    %c0_i32_0 = arith.constant 0 : i32
    %c0_i32_1 = arith.constant 0 : i32
    return %c0_i32, %c0_i32_0 : i32, i32
  }
  func.func @transform_5(%arg0: i32) -> (i32, i32) {
    %c0_i32 = arith.constant 0 : i32
    %c0_i32_0 = arith.constant 0 : i32
    %c0_i32_1 = arith.constant 0 : i32
    return %c0_i32, %c0_i32_0 : i32, i32
  }
  func.func @transform_6(%arg0: i32) -> (i32, i32) {
    %c0_i32 = arith.constant 0 : i32
    %c0_i32_0 = arith.constant 0 : i32
    return %arg0, %c0_i32 : i32, i32
  }
  func.func @transform_7(%arg0: i32) -> (i32, i32) {
    %c0_i32 = arith.constant 0 : i32
    %c0_i32_0 = arith.constant 0 : i32
    return %arg0, %c0_i32 : i32, i32
  }
}

module attributes {stable_mosaic.version = 14 : i64} {
  func.func @_final_body(%arg0: i32, %arg1: memref<2000x128xf32, #tpu.memory_space<vmem>>, %arg2: memref<2000x128xf32, #tpu.memory_space<vmem>>, %arg3: memref<2000x128xf32, #tpu.memory_space<vmem>>, %arg4: memref<128x128xf32, #tpu.memory_space<vmem>>, %arg5: memref<1x128xf32, #tpu.memory_space<vmem>>, %arg6: memref<2000x128xf32, #tpu.memory_space<vmem>>) attributes {dimension_semantics = [#tpu.dimension_semantics<arbitrary>], iteration_bounds = array<i64: 5>, scalar_prefetch = 0 : i64, scratch_operands = 0 : i64, tpu.core_type = #tpu.core_type<tc>, window_params = [{transform_indices = @transform_0, window_bounds = array<i64: 2000, 128>}, {transform_indices = @transform_1, window_bounds = array<i64: 2000, 128>}, {transform_indices = @transform_2, window_bounds = array<i64: 2000, 128>}, {pipeline_mode = #tpu.pipeline_mode<synchronous>, transform_indices = @transform_3, window_bounds = array<i64: 128, 128>}, {pipeline_mode = #tpu.pipeline_mode<synchronous>, transform_indices = @transform_4, window_bounds = array<i64: 1, 128>}, {transform_indices = @transform_5, window_bounds = array<i64: 2000, 128>}]} {
    %get3A = arith.constant 0 : index
    %get3A_0 = arith.constant 0 : index
    %get3A_1 = vector.load %arg1[%get3A, %get3A_0] : memref<2000x128xf32, #tpu.memory_space<vmem>>, vector<2000x128xf32>
    %get3A_2 = arith.constant 0 : index
    %get3A_3 = arith.constant 0 : index
    %get3A_4 = vector.load %arg2[%get3A_2, %get3A_3] : memref<2000x128xf32, #tpu.memory_space<vmem>>, vector<2000x128xf32>
    %add3A = arith.addf %get3A_1, %get3A_4 : vector<2000x128xf32>
    %get3A_5 = arith.constant 0 : index
    %get3A_6 = arith.constant 0 : index
    %get3A_7 = vector.load %arg3[%get3A_5, %get3A_6] : memref<2000x128xf32, #tpu.memory_space<vmem>>, vector<2000x128xf32>
    %add3A_8 = arith.addf %add3A, %get3A_7 : vector<2000x128xf32>
    %get3A_9 = arith.constant 0 : index
    %get3A_10 = arith.constant 0 : index
    %get3A_11 = vector.load %arg4[%get3A_9, %get3A_10] : memref<128x128xf32, #tpu.memory_space<vmem>>, vector<128x128xf32>
    %dot_general3A = arith.constant dense<0.000000e+00> : vector<2000x128xf32>
    %dot_general3A_12 = tpu.matmul %add3A_8, %get3A_11, %dot_general3A {dimension_numbers = #tpu.dot_dimension_numbers<[1], [1], [0], [0], [0, 0, 1, 0], [], []>, transpose_lhs_hint = false} : vector<2000x128xf32>, vector<128x128xf32>, vector<2000x128xf32> -> vector<2000x128xf32>
    %get3A_13 = arith.constant 0 : index
    %get3A_14 = arith.constant 0 : index
    %get3A_15 = vector.load %arg5[%get3A_13, %get3A_14] : memref<1x128xf32, #tpu.memory_space<vmem>>, vector<1x128xf32>
    %add3A_16 = vector.broadcast %get3A_15 : vector<1x128xf32> to vector<2000x128xf32>
    %add3A_17 = arith.addf %dot_general3A_12, %add3A_16 : vector<2000x128xf32>
    %swap3A = arith.constant 0 : index
    %swap3A_18 = arith.constant 0 : index
    %swap3A_19 = vector.load %arg6[%swap3A, %swap3A_18] : memref<2000x128xf32, #tpu.memory_space<vmem>>, vector<2000x128xf32>
    tpu.vector_store %arg6[%swap3A, %swap3A_18], %add3A_17 {strides = array<i32>} : memref<2000x128xf32, #tpu.memory_space<vmem>>, vector<2000x128xf32>,
    return
  }
  func.func @transform_0(%arg0: i32) -> (i32, i32) {
    %c0_i32 = arith.constant 0 : i32
    %c0_i32_0 = arith.constant 0 : i32
    return %arg0, %c0_i32 : i32, i32
  }
  func.func @transform_1(%arg0: i32) -> (i32, i32) {
    %c0_i32 = arith.constant 0 : i32
    %c0_i32_0 = arith.constant 0 : i32
    return %arg0, %c0_i32 : i32, i32
  }
  func.func @transform_2(%arg0: i32) -> (i32, i32) {
    %c0_i32 = arith.constant 0 : i32
    %c0_i32_0 = arith.constant 0 : i32
    return %arg0, %c0_i32 : i32, i32
  }
  func.func @transform_3(%arg0: i32) -> (i32, i32) {
    %c0_i32 = arith.constant 0 : i32
    %c0_i32_0 = arith.constant 0 : i32
    %c0_i32_1 = arith.constant 0 : i32
    return %c0_i32, %c0_i32_0 : i32, i32
  }
  func.func @transform_4(%arg0: i32) -> (i32, i32) {
    %c0_i32 = arith.constant 0 : i32
    %c0_i32_0 = arith.constant 0 : i32
    %c0_i32_1 = arith.constant 0 : i32
    return %c0_i32, %c0_i32_0 : i32, i32
  }
  func.func @transform_5(%arg0: i32) -> (i32, i32) {
    %c0_i32 = arith.constant 0 : i32
    %c0_i32_0 = arith.constant 0 : i32
    return %arg0, %c0_i32 : i32, i32
  }
}

</mosaic_0001>

<sc_bundles>
// kernel: kernel.12.cloned.1.call-start
scs
__scs_entry_jumppad:
0x0: {  	(pc) =	sbr.rel $0x88, $3  }
0x1: {  	(tag) =	ssettag $0x0;
	lr =	simm.s32 $0x1  }
0x2: {  	[smem:$0x3F94] =	sst lr;
	_ =	strace $0xD0000000  }
0x3: {  	_ = 	snop  }
0x4: {  	_ = 	snop  }
0x5: {  	_ = 	snop  }
0x6: {  	_ = 	snop  }
0x7: {  	_ = 	snop  }
__scs_overlays_trampoline_lowered:
0x8: {  	[smem:$0x3FA3] =	sst s0  }
0x9: {  	[smem:$0x3FA4] =	sst s1  }
0xa: {  	[smem:$0x3FA5] =	sst s2  }
0xb: {  	[smem:$0x3FA6] =	sst s3  }
0xc: {  	[smem:$0x3FA7] =	sst s4  }
0xd: {  	[smem:$0x3FA8] =	sst s5  }
0xe: {  	[smem:$0x3FA9] =	sst s6  }
0xf: {  	[smem:$0x3FAA] =	sst s7  }
0x10: {  	[smem:$0x3FAB] =	sst s8  }
0x11: {  	[smem:$0x3FAC] =	sst s9;
	s0 =	simm.s32 @!p0 $0x0  }
0x12: {  	s1 =	sld [smem:$0x3F92];
	s0 =	simm.s32 @p0 $0x1  }
0x13: {  	[smem:$0x3FAD] =	sst s0;
	s0 =	simm.s32 @!p1 $0x0  }
0x14: {  	s2 =	sld [smem:$0x3F91];
	s0 =	simm.s32 @p1 $0x1  }
0x15: {  	[smem:$0x3FAE] =	sst s0;
	s0 =	simm.s32 @!p2 $0x0  }
0x16: {  	s3 =	sld [smem:$0x3FDB];
	s0 =	simm.s32 @p2 $0x1  }
0x17: {  	s4 =	simm.s32 $0x1BF5;
	[smem:$0x3FB0] =	sst s0  }
0x18: {  	s0 =	sld [smem:$0x3F93];
	_ =	swait.ge [sflag:s4], $0x0  }
0x19: {  	s7 =	sld [smem:$0x3F94]  }
0x1a: {  	s8 =	sadd.s32 $0xFFFFE003, lr  }
0x1b: {  	s9 =	sadd.s32 $0xFFFFFEF7, lr;
	s5 =	simm.s32 $0xFFFFFFFF;
	p2 =	slt.u32 s8, $0xFFFFF086  }
0x1c: {  	p1 =	slt.u32 s9, $0xF7A;
	s5 =	simm.s32 @!p2 $0x0  }
0x1d: {  	s5 =	simm.s32 @p1 $0x1;
	p0 =	seq.s32 s7, s2  }
0x1e: {  	s7 =	smul.u32 @!p0 $0xF7A, s2;
	p2 =	seq.s32 @!p0 s5, $0x0  }
0x1f: {  	s9 =	smul.u32 $0xF7A, s1;
	s8 =	simm.s32 @!p0 $0x1BF5;
	p2 =	por !p2, p0  }
0x20: {  	[sflag:s8] =	ssyncset.s32 @!p0 $0xFFFFF086;
	s6 =	sadd.s32 @!p0 s3, s7;
	s7 =	simm.s32 @!p0 $0x108  }
0x21: {  	s3 =	sadd.s32 s3, s9;
	s6 =	sadd.s32 @!p0 $0x88, s6;
	s7 =	simm.s32 @p2 $0x1082  }
0x22: {  	[simem:s7], [sflag:s8] =	dma.local @!p0 [hbm:s6], $0xF7A  }
0x23: {  	s9 =	sor.u32 $0xD0000000, s2;
	s6 =	simm.s32 $0x108;
	_ =	swait.ge @!p0 [sflag:s8], $0x0  }
0x24: {  	s3 =	sadd.s32 $0x88, s3;
	s6 =	simm.s32 @!p1 $0x1082;
	[sflag:s4] =	ssyncset.s32 $0xFFFFF086  }
0x25: {  	[simem:s6], [sflag:s4] =	dma.local [hbm:s3], $0xF7A  }
0x26: {  	[smem:$0x3F94] =	sst s1;
	(tag) =	ssettag s2;
	_ =	strace s9  }
0x27: {  	s1 =	sld [smem:$0x3FA4]  }
0x28: {  	s2 =	sld [smem:$0x3FA5]  }
0x29: {  	s4 =	sld [smem:$0x3FA7]  }
0x2a: {  	p0 =	seq.s32 s5, $0x0;
	s5 =	sld [smem:$0x3FA8]  }
0x2b: {  	s6 =	sld [smem:$0x3FA9]  }
0x2c: {  	s7 =	sld [smem:$0x3FAA]  }
0x2d: {  	s3 =	simm.s32 $0x108;
	s8 =	sld [smem:$0x3FAB]  }
0x2e: {  	s3 =	simm.s32 @!p0 $0x1082;
	s9 =	sld [smem:$0x3FAC]  }
0x2f: {  	lr =	sadd.s32 s0, s3;
	s0 =	sld [smem:$0x3FA3]  }
0x30: {  	s3 =	sld [smem:$0x3FA6]  }
0x31: {  	[smem:$0x3FAF] =	sst s10  }
0x32: {  	s10 =	sld [smem:$0x3FAD];
	_ =	sdelay $0x3  }
0x33: {  	p0 =	seq.s32 s10, $0x1;
	s10 =	sld [smem:$0x3FAF];
	_ =	sdelay $0x3  }
0x34: {  	[smem:$0x3FAF] =	sst s10  }
0x35: {  	s10 =	sld [smem:$0x3FAE];
	_ =	sdelay $0x3  }
0x36: {  	p1 =	seq.s32 s10, $0x1;
	s10 =	sld [smem:$0x3FAF];
	_ =	sdelay $0x3  }
0x37: {  	[smem:$0x3FAF] =	sst s10  }
0x38: {  	s10 =	sld [smem:$0x3FB0]  }
0x39: {  	_ = 	snop;
	(pc) =	sbr.ind lr, $3  }
0x3a: {  	_ = 	snop  }
0x3b: {  	_ = 	snop  }
0x3c: {  	p2 =	seq.s32 s10, $0x1;
	s10 =	sld [smem:$0x3FAF]  }
0x3d: {  	_ =	shalt  }
0x3e: {  	_ =	shalt  }
0x3f: {  	_ =	shalt  }
0x40: {  	_ =	shalt  }
0x41: {  	_ =	shalt  }
0x42: {  	_ =	shalt  }
0x43: {  	_ =	shalt  }
0x44: {  	_ =	shalt  }
0x45: {  	_ =	shalt  }
0x46: {  	_ =	shalt  }
0x47: {  	_ =	shalt  }
0x48: {  	_ =	shalt  }
0x49: {  	_ =	shalt  }
0x4a: {  	_ =	shalt  }
0x4b: {  	_ =	shalt  }
0x4c: {  	_ =	shalt  }
0x4d: {  	_ =	shalt  }
0x4e: {  	_ =	shalt  }
0x4f: {  	_ =	shalt  }
0x50: {  	_ =	shalt  }
0x51: {  	_ =	shalt  }
0x52: {  	_ =	shalt  }
0x53: {  	_ =	shalt  }
0x54: {  	_ =	shalt  }
0x55: {  	_ =	shalt  }
0x56: {  	_ =	shalt  }
0x57: {  	_ =	shalt  }
0x58: {  	_ =	shalt  }
0x59: {  	_ =	shalt  }
0x5a: {  	_ =	shalt  }
0x5b: {  	_ =	shalt  }
0x5c: {  	_ =	shalt  }
0x5d: {  	_ =	shalt  }
0x5e: {  	_ =	shalt  }
0x5f: {  	_ =	shalt  }
0x60: {  	_ =	shalt  }
0x61: {  	_ =	shalt  }
0x62: {  	_ =	shalt  }
0x63: {  	_ =	shalt  }
0x64: {  	_ =	shalt  }
0x65: {  	_ =	shalt  }
0x66: {  	_ =	shalt  }
0x67: {  	_ =	shalt  }
0x68: {  	_ =	shalt  }
0x69: {  	_ =	shalt  }
0x6a: {  	_ =	shalt  }
0x6b: {  	_ =	shalt  }
0x6c: {  	_ =	shalt  }
0x6d: {  	_ =	shalt  }
0x6e: {  	_ =	shalt  }
0x6f: {  	_ =	shalt  }
0x70: {  	_ =	shalt  }
0x71: {  	_ =	shalt  }
0x72: {  	_ =	shalt  }
0x73: {  	_ =	shalt  }
0x74: {  	_ =	shalt  }
0x75: {  	_ =	shalt  }
0x76: {  	_ =	shalt  }
0x77: {  	_ =	shalt  }
0x78: {  	_ =	shalt  }
0x79: {  	_ =	shalt  }
0x7a: {  	_ =	shalt  }
0x7b: {  	_ =	shalt  }
0x7c: {  	_ =	shalt  }
0x7d: {  	_ =	shalt  }
0x7e: {  	_ =	shalt  }
0x7f: {  	_ =	shalt  }
0x80: {  	_ =	shalt  }
0x81: {  	_ =	shalt  }
0x82: {  	_ =	shalt  }
0x83: {  	_ =	shalt  }
0x84: {  	_ =	shalt  }
0x85: {  	_ =	shalt  }
0x86: {  	_ =	shalt  }
0x87: {  	_ =	shalt  }
.Lfunc_end0:
.L_simem_size_0:
called_computation.1_lowered:
.L_overlay_start_0:
0x88: {  	s2 =	sld [smem:$0x3FD9]  }
0x89: {  	s3 =	sld [smem:$0x3FFE];
	_ =	sdelay $0x1  }
0x8a: {  	s1 =	srdreg.scid  }
0x8b: {  	s0 =	sand.u32 $0x1, s1  }
0x8c: {  	s17 =	sshll.u32 s0, $0xA;
	s2 =	sadd.s32 s3, s2  }
0x8d: {  	s2 =	sadd.s32 s2, s17  }
0x8e: {  	[smem:$0x3FBB] =	sst s2  }
0x8f: {  	_ = 	snop  }
0x90: {  	s2 =	sld [smem:$0x3FD0];
	(tm) =	ssettm $0x1  }
0x91: {  	s18 =	sld [smem:$0x3FFB];
	_ =	sdelay $0x3  }
0x92: {  	_ =	strace s18  }
0x93: {  	s3 =	sld [smem:$0x3FFC];
	_ =	sdelay $0x3  }
0x94: {  	_ =	strace s3  }
0x95: {  	s3 =	sld [smem:$0x3FFD];
	_ =	sdelay $0x3  }
0x96: {  	_ =	strace s3  }
0x97: {  	_ =	strace $0x8FFFFFFF  }
0x98: {  	s19 =	sld [smem:$0x3FDB];
	_ =	sdelay $0x1  }
0x99: {  	s4 =	simm.s32 $_scs_section_size  }
0x9a: {  	s5 =	simm.s32 $_size__tile_overlayer_lowered;
	s6 =	simm.s32 $_tile_overlayer_lowered  }
0x9b: {  	s22 =	simm.s32 $0x1BFF;
	s21 =	sshll.u32 s6, $0x1;
	s3 =	sadd.s32 s4, s19  }
0x9c: {  	s7 =	simm.s32 $0x0;
	s20 =	sshll.u32 s5, $0x1;
	s5 =	sadd.s32 s21, s3  }
0x9d: {  	[timem:s7], [sflag:s22] =	dma.local [hbm:s5], s20  }
0x9e: {  	_ =	swait.ge [sflag:s22], s20  }
0x9f: {  	s4 =	ssub.s32 $0x0, s20;
	[sflag:s22] =	ssyncset.done $0x0  }
0xa0: {  	[sflag:s22] =	ssyncadd.s32 s4;
	_ =	sdelay $0x1  }
0xa1: {  	s23 =	simm.s32 $0x1B8B  }
0xa2: {  	_ =	swait.ge [sflag:s23], $0x1  }
0xa3: {  	[sflag:s23] =	ssyncset.done $0x0  }
0xa4: {  	s25 =	simm.s32 $0x1B8E;
	s24 =	sld [smem:$0x3FFE];
	[sflag:s23] =	ssyncadd.s32 $0xFFFFFFFF  }
0xa5: {  	s26 =	simm.s32 $execute0_lowered;
	[smem:$0x3FD2] =	sst s25  }
0xa6: {  	s5 =	sshll.u32 s26, $0x1;
	_ =	strace $0x80000049;
	[dreg:$0x1] =	wrdreg $0xFFFFFFFF  }
0xa7: {  	s28 =	simm.s32 $_size_execute0_lowered;
	s3 =	sadd.s32 s3, s5;
	[dreg:$0x0] =	wrdreg $0x0  }
0xa8: {  	s5 =	sshll.u32 s28, $0x1;
	[dreg:$0x2] =	wrdreg s3  }
0xa9: {  	[dreg:$0x3] =	wrdreg s5  }
0xaa: {  	[dreg:$0x4] =	wrdreg $0xC0  }
0xab: {  	_ =	task [dreg:s7], $0x5FFFF  }
0xac: {  	[dreg:$0x1] =	wrdreg $0xFFFFFFFF  }
0xad: {  	[dreg:$0x0] =	wrdreg $0x60  }
0xae: {  	[dreg:$0x2] =	wrdreg s24  }
0xaf: {  	[dreg:$0x3] =	wrdreg s2  }
0xb0: {  	[dreg:$0x4] =	wrdreg $0xA0000  }
0xb1: {  	[dreg:$0x5] =	wrdreg $0x9  }
0xb2: {  	_ =	task.clear_ibuf [dreg:s7], $0x6FFFF;
	_ =	strace $0x90000049  }
0xb3: {  	s29 =	simm.s32 $0x9;
	_ =	strace $0x8000004B  }
0xb4: {  	_ =	swait.ge [sflag:s29], $0x1  }
0xb5: {  	[sflag:s29] =	ssyncadd.s32 $0xFFFFFFFF  }
0xb6: {  	_ =	strace $0x9000004B  }
0xb7: {  	_ =	sfence  }
0xb8: {  	s30 =	sld [smem:$0x0];
	_ =	sdelay $0x2  }
0xb9: {  	s31 =	sshll.u32 s1, $0xD;
	s1 =	sshrl.u32 s1, $0x2  }
0xba: {  	s3 =	sand.u32 $0x4000, s31;
	s1 =	sadd.s32 s1, s30  }
0xbb: {  	s0 =	sor.u32 s3, s0;
	s1 =	sshll.u32 s1, $0x11  }
0xbc: {  	s0 =	sor.u32 s1, s0  }
0xbd: {  	s0 =	sadd.s32 $0x8F2B, s0  }
0xbe: {  	[sflag:s0] =	ssyncadd.remote.s32 $0x1  }
0xbf: {  	_ =	sfence.sel $0xFFFF  }
0xc0: {  	[dreg:$0x0] =	wrdreg $0xFFFFFFFF;
	(pc) =	sbr.abs _section_cstart, $3  }
0xc1: {  	[dreg:$0x1] =	wrdreg $0xFFFFFFFF  }
0xc2: {  	_ =	task.clear_ibuf [dreg:s7], $0x2FFFF;
	_ =	strace $0x9FFFFFFF  }
0xc3: {  	(tm) =	ssettm $0x7FFFFFFF  }
tec
execute0_lowered:
.L_overlay_start_1:
0x0: {  	(tag) =	ssettag $0x1  }
0x1: {  	s8 =	rddreg [dreg:$0x0]  }
0x2: {  	s1 =	rddreg [dreg:$0x1]  }
0x3: {  	s2 =	rddreg [dreg:$0x2]  }
0x4: {  	s0 =	rddreg [dreg:$0x3];
	s3 =	simm.s32 $0x0  }
0x5: {  	s4 =	srdreg.scid;
	s14 =	simm.s32 $0x80;
	s15 =	simm.s32 $0x2000  }
0x6: {  	s16 =	simm.s32 $0x6000;
	s17 =	simm.s32 $0x1;
	s18 =	simm.s32 $0x2  }
0x7: {  	s20 =	simm.s32 $0x1F00;
	s21 =	simm.s32 $0x1F80;
	[smem:$0x7FF] =	sst s3  }
0x8: {  	s19 =	sand.u32 $0x1, s4;
	s4 =	stileid.u32;
	s5 =	sadd.s32 $0xD000, s8  }
0x9: {  	s6 =	sadd.s32 $0x3000, s8;
	s7 =	sadd.s32 $0x17000, s8;
	s9 =	smul.u32 $0x28000, s19  }
0xa: {  	_ =	strace $0x8000004A;
	s10 =	ssub.s32 $0x2, s19;
	s11 =	smul.u32 $0x50000, s4  }
0xb: {  	s30 =	sshll.u32 s4, $0x6;
	s31 =	sshll.u32 s4, $0xC;
	p0 =	seq.s32 s19, $0x0  }
0xc: {  	s23 =	smul.u32 $0x2800, s4;
	s12 =	sshrl.u32 s10, $0x1;
	s13 =	sadd.s32 s9, s8  }
0xd: {  	s10 =	ssub.s32 s10, s12;
	s29 =	sshrl.u32 s11, $0x2;
	s12 =	sshll.u32 s4, $0xE  }
0xe: {  	s8 =	sor.u32 $0x40000, s31;
	s9 =	sor.u32 $0x1C03, s30;
	s11 =	sadd.s32 s29, s2  }
0xf: {  	s8 =	smov.u32 @p0 s12;
	s22 =	sadd.s32 $0x19800, s13;
	s10 =	smax.u32 s10, $0x1  }
0x10: {  	s12 =	simm.s32 $0x3;
	s13 =	simm.s32 $0x1000;
	p0 =	sne.s32 s19, $0x0  }
0x11: {  	s19 =	simm.s32 $0xF80;
	s11 =	sshrl.u32 s11, $0x3;
	s22 =	sadd.s32 s23, s22  }
.LBB2_1:
0x12: {  	[spmem:s11], [sflag:s9] =	dma.local [hbm:s7], $0x2800  }
0x13: {  	_ =	swait.ge [sflag:s12], $0x2800  }
0x14: {  	[sflag:s12] =	ssyncset.done $0x0  }
0x15: {  	[sflag:s12] =	ssyncadd.s32 $0xFFFFD800  }
0x16: {  	s23 =	simm.s32 $0x0;
	[bflag:$0x0] =	sbarrier.arrive $0xFFFF  }
.LBB2_2:
0x17: {  	s24 =	sshll.u32 s23, $0xC  }
0x18: {  	s24 =	sadd.s32 s8, s24  }
0x19: {  	s24 =	sshrl.u32 s24, $0x3  }
0x1a: {  	s26 =	simm.s32 $0x0;
	s25 =	sadd.s32 s5, s24  }
0x1b: {  	[tilespmem:s26], [sflag:$0x3] =	stream.linear.gather [hbm4b:s25+s26], $0x1000, $0x38;
	[tilespmem:$0x1E000] =	vst v63  }
0x1c: {  	_ =	swait.ge [sflag:s12], $0x1000  }
0x1d: {  	[sflag:s12] =	ssyncset.done $0x0  }
0x1e: {  	s24 =	sadd.s32 s6, s24;
	[sflag:s12] =	ssyncadd.s32 $0xFFFFF000  }
0x1f: {  	[tilespmem:s13], [sflag:$0x3] =	stream.linear.gather [hbm4b:s24+s26], $0x1000, $0x38;
	[tilespmem:$0x1E000] =	vst v63  }
0x20: {  	_ =	swait.ge [sflag:s12], $0x1000  }
0x21: {  	[sflag:s12] =	ssyncset.done $0x0  }
0x22: {  	[sflag:s12] =	ssyncadd.s32 $0xFFFFF000  }
0x23: {  	[tilespmem:s15], [sflag:$0x1] =	stream.indirect.gather [hbm4b:s1+s14], $0x80, s26, s14, $0xb8;
	[tilespmem:$0x1E000] =	vst v63  }
0x24: {  	s28 =	simm.s32 $0x80  }
0x25: {  	[tilespmem:s16], [sflag:$0x2] =	stream.indirect.gather [hbm4b:s1+s14], $0x80, s28, s14, $0xb8;
	[tilespmem:$0x1E000] =	vst v63  }
0x26: {  	_ =	swait.ge [sflag:s17], $0x4000  }
0x27: {  	[sflag:s17] =	ssyncset.done $0x0  }
0x28: {  	s29 =	simm.s32 $0x1000;
	[sflag:s17] =	ssyncadd.s32 $0xFFFFC000  }
0x29: {  	[spmem:s2] =	stream.indirect.scatter.add.f32 [tilespmem:s15], [sflag:$0x3], $0x80, s29, s14, $0xb8;
	[tilespmem:$0x1E000] =	vst v63  }
0x2a: {  	_ =	swait.ge [sflag:s12], $0x4000  }
0x2b: {  	[sflag:s12] =	ssyncset.done $0x0  }
0x2c: {  	s30 =	simm.s32 $0x100;
	[sflag:s12] =	ssyncadd.s32 $0xFFFFC000  }
0x2d: {  	[tilespmem:s15], [sflag:$0x1] =	stream.indirect.gather [hbm4b:s1+s14], $0x80, s30, s14, $0xb8;
	[tilespmem:$0x1E000] =	vst v63  }
0x2e: {  	_ =	swait.ge [sflag:s18], $0x4000  }
0x2f: {  	[sflag:s18] =	ssyncset.done $0x0  }
0x30: {  	s31 =	simm.s32 $0x1080;
	[sflag:s18] =	ssyncadd.s32 $0xFFFFC000  }
0x31: {  	[spmem:s2] =	stream.indirect.scatter.add.f32 [tilespmem:s16], [sflag:$0x3], $0x80, s31, s14, $0xb8;
	[tilespmem:$0x1E000] =	vst v63  }
0x32: {  	_ =	swait.ge [sflag:s12], $0x4000  }
0x33: {  	s25 =	simm.s32 $0x800;
	s24 =	simm.s32 $0x100;
	[sflag:s12] =	ssyncset.done $0x0  }
.LBB2_3:
0x34: {  	s26 =	sadd.s32 $0x80, s24  }
0x35: {  	[sflag:s12] =	ssyncadd.s32 $0xFFFFC000;
	s28 =	smov.u32 s25;
	s29 =	sadd.s32 $0x400, s25  }
0x36: {  	[tilespmem:s16], [sflag:$0x2] =	stream.indirect.gather [hbm4b:s1+s14], $0x80, s26, s14, $0xb8;
	[tilespmem:$0x1E000] =	vst v63  }
0x37: {  	p1 =	sne.s32 s25, $0x3800;
	_ =	swait.ge [sflag:s17], $0x4000  }
0x38: {  	[sflag:s17] =	ssyncset.done $0x0  }
0x39: {  	s25 =	sadd.s32 $0x1000, s24;
	[sflag:s17] =	ssyncadd.s32 $0xFFFFC000  }
0x3a: {  	[spmem:s2] =	stream.indirect.scatter.add.f32 [tilespmem:s15], [sflag:$0x3], $0x80, s25, s14, $0xb8;
	[tilespmem:$0x1E000] =	vst v63  }
0x3b: {  	_ =	swait.ge [sflag:s12], $0x4000  }
0x3c: {  	[sflag:s12] =	ssyncset.done $0x0  }
0x3d: {  	s25 =	sadd.s32 $0x100, s24;
	[sflag:s12] =	ssyncadd.s32 $0xFFFFC000  }
0x3e: {  	[tilespmem:s15], [sflag:$0x1] =	stream.indirect.gather [hbm4b:s1+s14], $0x80, s25, s14, $0xb8;
	[tilespmem:$0x1E000] =	vst v63  }
0x3f: {  	_ =	swait.ge [sflag:s18], $0x4000  }
.Ltmp0:
0x40: {  	[sflag:s18] =	ssyncset.done $0x0;
	(pc) =	sbr.rel @p1 .LBB2_3-.Ltmp0, $4  }
0x41: {  	s24 =	sadd.s32 $0x1080, s24;
	[sflag:s18] =	ssyncadd.s32 $0xFFFFC000  }
0x42: {  	[spmem:s2] =	stream.indirect.scatter.add.f32 [tilespmem:s16], [sflag:$0x3], $0x80, s24, s14, $0xb8;
	[tilespmem:$0x1E000] =	vst v63  }
0x43: {  	_ =	swait.ge [sflag:s12], $0x4000  }
0x44: {  	s25 =	smov.u32 s29;
	s24 =	sshra.s32 s28, $0x2;
	[sflag:s12] =	ssyncset.done $0x0  }
0x45: {  	s25 =	sadd.s32 $0x80, s24;
	[sflag:s12] =	ssyncadd.s32 $0xFFFFC000  }
0x46: {  	[tilespmem:s16], [sflag:$0x2] =	stream.indirect.gather [hbm4b:s1+s14], $0x80, s25, s14, $0xb8;
	[tilespmem:$0x1E000] =	vst v63  }
0x47: {  	_ =	swait.ge [sflag:s17], $0x4000  }
0x48: {  	[sflag:s17] =	ssyncset.done $0x0  }
0x49: {  	s29 =	sadd.s32 $0x1000, s24;
	[sflag:s17] =	ssyncadd.s32 $0xFFFFC000  }
0x4a: {  	[spmem:s2] =	stream.indirect.scatter.add.f32 [tilespmem:s15], [sflag:$0x3], $0x80, s29, s14, $0xb8;
	[tilespmem:$0x1E000] =	vst v63  }
0x4b: {  	_ =	swait.ge [sflag:s12], $0x4000  }
0x4c: {  	[sflag:s12] =	ssyncset.done $0x0  }
0x4d: {  	s30 =	sadd.s32 $0x100, s24;
	[sflag:s12] =	ssyncadd.s32 $0xFFFFC000  }
0x4e: {  	[tilespmem:s15], [sflag:$0x1] =	stream.indirect.gather [hbm4b:s1+s14], $0x80, s30, s14, $0xb8;
	[tilespmem:$0x1E000] =	vst v63  }
0x4f: {  	_ =	swait.ge [sflag:s18], $0x4000  }
0x50: {  	[sflag:s18] =	ssyncset.done $0x0  }
0x51: {  	s31 =	sadd.s32 $0x1080, s24;
	[sflag:s18] =	ssyncadd.s32 $0xFFFFC000  }
0x52: {  	[spmem:s2] =	stream.indirect.scatter.add.f32 [tilespmem:s16], [sflag:$0x3], $0x80, s31, s14, $0xb8;
	[tilespmem:$0x1E000] =	vst v63  }
0x53: {  	_ =	swait.ge [sflag:s12], $0x4000  }
0x54: {  	[sflag:s12] =	ssyncset.done $0x0  }
0x55: {  	[sflag:s12] =	ssyncadd.s32 $0xFFFFC000  }
0x56: {  	[tilespmem:s16], [sflag:$0x2] =	stream.indirect.gather [hbm4b:s1+s14], $0x80, s19, s14, $0xb8;
	[tilespmem:$0x1E000] =	vst v63  }
0x57: {  	_ =	swait.ge [sflag:s17], $0x4000  }
0x58: {  	[sflag:s17] =	ssyncset.done $0x0  }
0x59: {  	[sflag:s17] =	ssyncadd.s32 $0xFFFFC000  }
0x5a: {  	[spmem:s2] =	stream.indirect.scatter.add.f32 [tilespmem:s15], [sflag:$0x3], $0x80, s20, s14, $0xb8;
	[tilespmem:$0x1E000] =	vst v63  }
0x5b: {  	_ =	swait.ge [sflag:s12], $0x4000  }
0x5c: {  	[sflag:s12] =	ssyncset.done $0x0  }
0x5d: {  	[sflag:s12] =	ssyncadd.s32 $0xFFFFC000  }
0x5e: {  	p1 =	slt.u32 @!p0 s23, $0x3;
	_ =	swait.ge [sflag:s18], $0x4000  }
0x5f: {  	p1 =	por p0, !p1;
	[sflag:s18] =	ssyncset.done $0x0  }
.Ltmp1:
0x60: {  	[sflag:s18] =	ssyncadd.s32 $0xFFFFC000;
	(pc) =	sbr.rel @!p1 .LBB2_2-.Ltmp1, $4  }
0x61: {  	[spmem:s2] =	stream.indirect.scatter.add.f32 [tilespmem:s16], [sflag:$0x3], $0x80, s21, s14, $0xb8;
	[tilespmem:$0x1E000] =	vst v63  }
0x62: {  	_ =	swait.ge [sflag:s12], $0x4000  }
0x63: {  	[sflag:s12] =	ssyncset.done $0x0  }
0x64: {  	s23 =	sadd.s32 $0x1, s23;
	[sflag:s12] =	ssyncadd.s32 $0xFFFFC000  }
0x65: {  	s3 =	sadd.s32 $0x1, s3  }
0x66: {  	p1 =	sne.s32 s3, s10  }
.Ltmp2:
0x67: {  	[bflag:$0x0] =	sbarrier.arrive $0xFFFF;
	(pc) =	sbr.rel @p1 .LBB2_1-.Ltmp2, $4  }
0x68: {  	[hbm:s22], [sflag:s9] =	dma.local [spmem:s11], $0x2800  }
0x69: {  	_ =	swait.ge [sflag:s12], $0x2800  }
0x6a: {  	[sflag:s12] =	ssyncset.done $0x0  }
0x6b: {  	[sflag:s12] =	ssyncadd.s32 $0xFFFFD800  }
0x6c: {  	_ =	sfence.sel $0x180000  }
0x6d: {  	[bflag:$0x0] =	sbarrier.arrive $0xFFFF  }
0x6e: {  	p0 =	sne.s32 s4, $0x0;
	_ =	strace $0x9000004A  }
0x6f: {  	s0 =	sadd.s32 @!p0 $0x100000, s0;
	[bflag:$0x2] =	sbarrier.arrive $0xFFFF  }
0x70: {  	[sflag:s0] =	ssyncadd.tile.s32 @!p0 $0x1;
	_ =	shalt  }
.Lfunc_end2:
_tile_overlayer_lowered:
.L_overlay_start_2:
0x71: {  	(tag) =	ssettag $0x2  }
0x72: {  	s0 =	rddreg [dreg:$0x0];
	s2 =	stileid.u32  }
0x73: {  	s1 =	rddreg [dreg:$0x1];
	p0 =	sne.s32 s2, $0x0  }
0x74: {  	s3 =	rddreg [dreg:$0x2];
	[bflag:$0x3] =	sbarrier.arrive $0xFFFF;
	s2 =	simm.s32 @!p0 $0x1C03  }
0x75: {  	[timem:s3], [sflag:s2] =	dma.local @!p0 [hbm:s0], s1  }
0x76: {  	s0 =	simm.s32 @!p0 $0x3  }
0x77: {  	_ =	swait.ge @!p0 [sflag:s0], s1  }
0x78: {  	s1 =	ssub.s32 @!p0 $0x0, s1;
	[sflag:s0] =	ssyncset.done @!p0 $0x0  }
0x79: {  	[sflag:s0] =	ssyncadd.s32 @!p0 s1  }
0x7a: {  	[bflag:$0x3] =	sbarrier.arrive $0xFFFF  }
0x7b: {  	_ =	shalt  }

// kernel: kernel.15.cloned.1.call-start
scs
__scs_entry_jumppad:
0x0: {  	(pc) =	sbr.rel $0x88, $3  }
0x1: {  	(tag) =	ssettag $0x0;
	lr =	simm.s32 $0x1  }
0x2: {  	[smem:$0x3F94] =	sst lr;
	_ =	strace $0xD0000000  }
0x3: {  	_ = 	snop  }
0x4: {  	_ = 	snop  }
0x5: {  	_ = 	snop  }
0x6: {  	_ = 	snop  }
0x7: {  	_ = 	snop  }
__scs_overlays_trampoline_lowered:
0x8: {  	[smem:$0x3FA3] =	sst s0  }
0x9: {  	[smem:$0x3FA4] =	sst s1  }
0xa: {  	[smem:$0x3FA5] =	sst s2  }
0xb: {  	[smem:$0x3FA6] =	sst s3  }
0xc: {  	[smem:$0x3FA7] =	sst s4  }
0xd: {  	[smem:$0x3FA8] =	sst s5  }
0xe: {  	[smem:$0x3FA9] =	sst s6  }
0xf: {  	[smem:$0x3FAA] =	sst s7  }
0x10: {  	[smem:$0x3FAB] =	sst s8  }
0x11: {  	[smem:$0x3FAC] =	sst s9;
	s0 =	simm.s32 @!p0 $0x0  }
0x12: {  	s1 =	sld [smem:$0x3F92];
	s0 =	simm.s32 @p0 $0x1  }
0x13: {  	[smem:$0x3FAD] =	sst s0;
	s0 =	simm.s32 @!p1 $0x0  }
0x14: {  	s2 =	sld [smem:$0x3F91];
	s0 =	simm.s32 @p1 $0x1  }
0x15: {  	[smem:$0x3FAE] =	sst s0;
	s0 =	simm.s32 @!p2 $0x0  }
0x16: {  	s3 =	sld [smem:$0x3FDB];
	s0 =	simm.s32 @p2 $0x1  }
0x17: {  	s4 =	simm.s32 $0x1BF5;
	[smem:$0x3FB0] =	sst s0  }
0x18: {  	s0 =	sld [smem:$0x3F93];
	_ =	swait.ge [sflag:s4], $0x0  }
0x19: {  	s7 =	sld [smem:$0x3F94]  }
0x1a: {  	s8 =	sadd.s32 $0xFFFFE003, lr  }
0x1b: {  	s9 =	sadd.s32 $0xFFFFFEF7, lr;
	s5 =	simm.s32 $0xFFFFFFFF;
	p2 =	slt.u32 s8, $0xFFFFF086  }
0x1c: {  	p1 =	slt.u32 s9, $0xF7A;
	s5 =	simm.s32 @!p2 $0x0  }
0x1d: {  	s5 =	simm.s32 @p1 $0x1;
	p0 =	seq.s32 s7, s2  }
0x1e: {  	s7 =	smul.u32 @!p0 $0xF7A, s2;
	p2 =	seq.s32 @!p0 s5, $0x0  }
0x1f: {  	s9 =	smul.u32 $0xF7A, s1;
	s8 =	simm.s32 @!p0 $0x1BF5;
	p2 =	por !p2, p0  }
0x20: {  	[sflag:s8] =	ssyncset.s32 @!p0 $0xFFFFF086;
	s6 =	sadd.s32 @!p0 s3, s7;
	s7 =	simm.s32 @!p0 $0x108  }
0x21: {  	s3 =	sadd.s32 s3, s9;
	s6 =	sadd.s32 @!p0 $0x88, s6;
	s7 =	simm.s32 @p2 $0x1082  }
0x22: {  	[simem:s7], [sflag:s8] =	dma.local @!p0 [hbm:s6], $0xF7A  }
0x23: {  	s9 =	sor.u32 $0xD0000000, s2;
	s6 =	simm.s32 $0x108;
	_ =	swait.ge @!p0 [sflag:s8], $0x0  }
0x24: {  	s3 =	sadd.s32 $0x88, s3;
	s6 =	simm.s32 @!p1 $0x1082;
	[sflag:s4] =	ssyncset.s32 $0xFFFFF086  }
0x25: {  	[simem:s6], [sflag:s4] =	dma.local [hbm:s3], $0xF7A  }
0x26: {  	[smem:$0x3F94] =	sst s1;
	(tag) =	ssettag s2;
	_ =	strace s9  }
0x27: {  	s1 =	sld [smem:$0x3FA4]  }
0x28: {  	s2 =	sld [smem:$0x3FA5]  }
0x29: {  	s4 =	sld [smem:$0x3FA7]  }
0x2a: {  	p0 =	seq.s32 s5, $0x0;
	s5 =	sld [smem:$0x3FA8]  }
0x2b: {  	s6 =	sld [smem:$0x3FA9]  }
0x2c: {  	s7 =	sld [smem:$0x3FAA]  }
0x2d: {  	s3 =	simm.s32 $0x108;
	s8 =	sld [smem:$0x3FAB]  }
0x2e: {  	s3 =	simm.s32 @!p0 $0x1082;
	s9 =	sld [smem:$0x3FAC]  }
0x2f: {  	lr =	sadd.s32 s0, s3;
	s0 =	sld [smem:$0x3FA3]  }
0x30: {  	s3 =	sld [smem:$0x3FA6]  }
0x31: {  	[smem:$0x3FAF] =	sst s10  }
0x32: {  	s10 =	sld [smem:$0x3FAD];
	_ =	sdelay $0x3  }
0x33: {  	p0 =	seq.s32 s10, $0x1;
	s10 =	sld [smem:$0x3FAF];
	_ =	sdelay $0x3  }
0x34: {  	[smem:$0x3FAF] =	sst s10  }
0x35: {  	s10 =	sld [smem:$0x3FAE];
	_ =	sdelay $0x3  }
0x36: {  	p1 =	seq.s32 s10, $0x1;
	s10 =	sld [smem:$0x3FAF];
	_ =	sdelay $0x3  }
0x37: {  	[smem:$0x3FAF] =	sst s10  }
0x38: {  	s10 =	sld [smem:$0x3FB0]  }
0x39: {  	_ = 	snop;
	(pc) =	sbr.ind lr, $3  }
0x3a: {  	_ = 	snop  }
0x3b: {  	_ = 	snop  }
0x3c: {  	p2 =	seq.s32 s10, $0x1;
	s10 =	sld [smem:$0x3FAF]  }
0x3d: {  	_ =	shalt  }
0x3e: {  	_ =	shalt  }
0x3f: {  	_ =	shalt  }
0x40: {  	_ =	shalt  }
0x41: {  	_ =	shalt  }
0x42: {  	_ =	shalt  }
0x43: {  	_ =	shalt  }
0x44: {  	_ =	shalt  }
0x45: {  	_ =	shalt  }
0x46: {  	_ =	shalt  }
0x47: {  	_ =	shalt  }
0x48: {  	_ =	shalt  }
0x49: {  	_ =	shalt  }
0x4a: {  	_ =	shalt  }
0x4b: {  	_ =	shalt  }
0x4c: {  	_ =	shalt  }
0x4d: {  	_ =	shalt  }
0x4e: {  	_ =	shalt  }
0x4f: {  	_ =	shalt  }
0x50: {  	_ =	shalt  }
0x51: {  	_ =	shalt  }
0x52: {  	_ =	shalt  }
0x53: {  	_ =	shalt  }
0x54: {  	_ =	shalt  }
0x55: {  	_ =	shalt  }
0x56: {  	_ =	shalt  }
0x57: {  	_ =	shalt  }
0x58: {  	_ =	shalt  }
0x59: {  	_ =	shalt  }
0x5a: {  	_ =	shalt  }
0x5b: {  	_ =	shalt  }
0x5c: {  	_ =	shalt  }
0x5d: {  	_ =	shalt  }
0x5e: {  	_ =	shalt  }
0x5f: {  	_ =	shalt  }
0x60: {  	_ =	shalt  }
0x61: {  	_ =	shalt  }
0x62: {  	_ =	shalt  }
0x63: {  	_ =	shalt  }
0x64: {  	_ =	shalt  }
0x65: {  	_ =	shalt  }
0x66: {  	_ =	shalt  }
0x67: {  	_ =	shalt  }
0x68: {  	_ =	shalt  }
0x69: {  	_ =	shalt  }
0x6a: {  	_ =	shalt  }
0x6b: {  	_ =	shalt  }
0x6c: {  	_ =	shalt  }
0x6d: {  	_ =	shalt  }
0x6e: {  	_ =	shalt  }
0x6f: {  	_ =	shalt  }
0x70: {  	_ =	shalt  }
0x71: {  	_ =	shalt  }
0x72: {  	_ =	shalt  }
0x73: {  	_ =	shalt  }
0x74: {  	_ =	shalt  }
0x75: {  	_ =	shalt  }
0x76: {  	_ =	shalt  }
0x77: {  	_ =	shalt  }
0x78: {  	_ =	shalt  }
0x79: {  	_ =	shalt  }
0x7a: {  	_ =	shalt  }
0x7b: {  	_ =	shalt  }
0x7c: {  	_ =	shalt  }
0x7d: {  	_ =	shalt  }
0x7e: {  	_ =	shalt  }
0x7f: {  	_ =	shalt  }
0x80: {  	_ =	shalt  }
0x81: {  	_ =	shalt  }
0x82: {  	_ =	shalt  }
0x83: {  	_ =	shalt  }
0x84: {  	_ =	shalt  }
0x85: {  	_ =	shalt  }
0x86: {  	_ =	shalt  }
0x87: {  	_ =	shalt  }
.Lfunc_end0:
.L_simem_size_0:
called_computation.2_lowered:
.L_overlay_start_0:
0x88: {  	s2 =	sld [smem:$0x3FD9]  }
0x89: {  	s3 =	sld [smem:$0x3FFE];
	_ =	sdelay $0x1  }
0x8a: {  	s1 =	srdreg.scid  }
0x8b: {  	s0 =	sand.u32 $0x1, s1  }
0x8c: {  	s17 =	sshll.u32 s0, $0xA;
	s2 =	sadd.s32 s3, s2  }
0x8d: {  	s2 =	sadd.s32 s2, s17  }
0x8e: {  	[smem:$0x3FBB] =	sst s2  }
0x8f: {  	_ = 	snop  }
0x90: {  	s2 =	sld [smem:$0x3FD0];
	(tm) =	ssettm $0x1  }
0x91: {  	s18 =	sld [smem:$0x3FFB];
	_ =	sdelay $0x3  }
0x92: {  	_ =	strace s18  }
0x93: {  	s3 =	sld [smem:$0x3FFC];
	_ =	sdelay $0x3  }
0x94: {  	_ =	strace s3  }
0x95: {  	s3 =	sld [smem:$0x3FFD];
	_ =	sdelay $0x3  }
0x96: {  	_ =	strace s3  }
0x97: {  	_ =	strace $0x8FFFFFFF  }
0x98: {  	s19 =	sld [smem:$0x3FDB];
	_ =	sdelay $0x1  }
0x99: {  	s4 =	simm.s32 $_scs_section_size  }
0x9a: {  	s5 =	simm.s32 $_size__tile_overlayer_lowered;
	s6 =	simm.s32 $_tile_overlayer_lowered  }
0x9b: {  	s22 =	simm.s32 $0x1BFF;
	s21 =	sshll.u32 s6, $0x1;
	s3 =	sadd.s32 s4, s19  }
0x9c: {  	s7 =	simm.s32 $0x0;
	s20 =	sshll.u32 s5, $0x1;
	s5 =	sadd.s32 s21, s3  }
0x9d: {  	[timem:s7], [sflag:s22] =	dma.local [hbm:s5], s20  }
0x9e: {  	_ =	swait.ge [sflag:s22], s20  }
0x9f: {  	s4 =	ssub.s32 $0x0, s20;
	[sflag:s22] =	ssyncset.done $0x0  }
0xa0: {  	[sflag:s22] =	ssyncadd.s32 s4;
	_ =	sdelay $0x1  }
0xa1: {  	s23 =	simm.s32 $0x1B8B  }
0xa2: {  	_ =	swait.ge [sflag:s23], $0x1  }
0xa3: {  	[sflag:s23] =	ssyncset.done $0x0  }
0xa4: {  	s25 =	simm.s32 $0x1B8E;
	s24 =	sld [smem:$0x3FFE];
	[sflag:s23] =	ssyncadd.s32 $0xFFFFFFFF  }
0xa5: {  	s26 =	simm.s32 $execute0_lowered;
	[smem:$0x3FD2] =	sst s25  }
0xa6: {  	s5 =	sshll.u32 s26, $0x1;
	_ =	strace $0x8000004C;
	[dreg:$0x1] =	wrdreg $0xFFFFFFFF  }
0xa7: {  	s28 =	simm.s32 $_size_execute0_lowered;
	s3 =	sadd.s32 s3, s5;
	[dreg:$0x0] =	wrdreg $0x0  }
0xa8: {  	s5 =	sshll.u32 s28, $0x1;
	[dreg:$0x2] =	wrdreg s3  }
0xa9: {  	[dreg:$0x3] =	wrdreg s5  }
0xaa: {  	[dreg:$0x4] =	wrdreg $0xC0  }
0xab: {  	_ =	task [dreg:s7], $0x5FFFF  }
0xac: {  	[dreg:$0x1] =	wrdreg $0xFFFFFFFF  }
0xad: {  	[dreg:$0x0] =	wrdreg $0x60  }
0xae: {  	[dreg:$0x2] =	wrdreg s24  }
0xaf: {  	[dreg:$0x3] =	wrdreg s2  }
0xb0: {  	[dreg:$0x4] =	wrdreg $0xA0000  }
0xb1: {  	[dreg:$0x5] =	wrdreg $0x9  }
0xb2: {  	_ =	task.clear_ibuf [dreg:s7], $0x6FFFF;
	_ =	strace $0x9000004C  }
0xb3: {  	s29 =	simm.s32 $0x9;
	_ =	strace $0x8000004E  }
0xb4: {  	_ =	swait.ge [sflag:s29], $0x1  }
0xb5: {  	[sflag:s29] =	ssyncadd.s32 $0xFFFFFFFF  }
0xb6: {  	_ =	strace $0x9000004E  }
0xb7: {  	_ =	sfence  }
0xb8: {  	s30 =	sld [smem:$0x0];
	_ =	sdelay $0x2  }
0xb9: {  	s31 =	sshll.u32 s1, $0xD;
	s1 =	sshrl.u32 s1, $0x2  }
0xba: {  	s3 =	sand.u32 $0x4000, s31;
	s1 =	sadd.s32 s1, s30  }
0xbb: {  	s0 =	sor.u32 s3, s0;
	s1 =	sshll.u32 s1, $0x11  }
0xbc: {  	s0 =	sor.u32 s1, s0  }
0xbd: {  	s0 =	sadd.s32 $0x8F2B, s0  }
0xbe: {  	[sflag:s0] =	ssyncadd.remote.s32 $0x1  }
0xbf: {  	_ =	sfence.sel $0xFFFF  }
0xc0: {  	[dreg:$0x0] =	wrdreg $0xFFFFFFFF;
	(pc) =	sbr.abs _section_cstart, $3  }
0xc1: {  	[dreg:$0x1] =	wrdreg $0xFFFFFFFF  }
0xc2: {  	_ =	task.clear_ibuf [dreg:s7], $0x2FFFF;
	_ =	strace $0x9FFFFFFF  }
0xc3: {  	(tm) =	ssettm $0x7FFFFFFF  }
tec
execute0_lowered:
.L_overlay_start_1:
0x0: {  	(tag) =	ssettag $0x1  }
0x1: {  	s8 =	rddreg [dreg:$0x0]  }
0x2: {  	s1 =	rddreg [dreg:$0x1]  }
0x3: {  	s2 =	rddreg [dreg:$0x2]  }
0x4: {  	s0 =	rddreg [dreg:$0x3];
	s3 =	simm.s32 $0x0  }
0x5: {  	s4 =	srdreg.scid;
	s14 =	simm.s32 $0x80;
	s15 =	simm.s32 $0x2000  }
0x6: {  	s16 =	simm.s32 $0x6000;
	s17 =	simm.s32 $0x1;
	s18 =	simm.s32 $0x2  }
0x7: {  	s20 =	simm.s32 $0x1F00;
	s21 =	simm.s32 $0x1F80;
	[smem:$0x7FF] =	sst s3  }
0x8: {  	s19 =	sand.u32 $0x1, s4;
	s4 =	stileid.u32;
	s5 =	sadd.s32 $0xD000, s8  }
0x9: {  	s6 =	sadd.s32 $0x3000, s8;
	s7 =	sadd.s32 $0x17000, s8;
	s9 =	smul.u32 $0x28000, s19  }
0xa: {  	_ =	strace $0x8000004D;
	s10 =	ssub.s32 $0x2, s19;
	s11 =	smul.u32 $0x50000, s4  }
0xb: {  	s30 =	sshll.u32 s4, $0x6;
	s31 =	sshll.u32 s4, $0xC;
	p0 =	seq.s32 s19, $0x0  }
0xc: {  	s23 =	smul.u32 $0x2800, s4;
	s12 =	sshrl.u32 s10, $0x1;
	s13 =	sadd.s32 s9, s8  }
0xd: {  	s10 =	ssub.s32 s10, s12;
	s29 =	sshrl.u32 s11, $0x2;
	s12 =	sshll.u32 s4, $0xE  }
0xe: {  	s8 =	sor.u32 $0x40000, s31;
	s9 =	sor.u32 $0x1C03, s30;
	s11 =	sadd.s32 s29, s2  }
0xf: {  	s8 =	smov.u32 @p0 s12;
	s22 =	sadd.s32 $0x19800, s13;
	s10 =	smax.u32 s10, $0x1  }
0x10: {  	s12 =	simm.s32 $0x3;
	s13 =	simm.s32 $0x1000;
	p0 =	sne.s32 s19, $0x0  }
0x11: {  	s19 =	simm.s32 $0xF80;
	s11 =	sshrl.u32 s11, $0x3;
	s22 =	sadd.s32 s23, s22  }
.LBB2_1:
0x12: {  	[spmem:s11], [sflag:s9] =	dma.local [hbm:s7], $0x2800  }
0x13: {  	_ =	swait.ge [sflag:s12], $0x2800  }
0x14: {  	[sflag:s12] =	ssyncset.done $0x0  }
0x15: {  	[sflag:s12] =	ssyncadd.s32 $0xFFFFD800  }
0x16: {  	s23 =	simm.s32 $0x0;
	[bflag:$0x0] =	sbarrier.arrive $0xFFFF  }
.LBB2_2:
0x17: {  	s24 =	sshll.u32 s23, $0xC  }
0x18: {  	s24 =	sadd.s32 s8, s24  }
0x19: {  	s24 =	sshrl.u32 s24, $0x3  }
0x1a: {  	s26 =	simm.s32 $0x0;
	s25 =	sadd.s32 s5, s24  }
0x1b: {  	[tilespmem:s26], [sflag:$0x3] =	stream.linear.gather [hbm4b:s25+s26], $0x1000, $0x38;
	[tilespmem:$0x1E000] =	vst v63  }
0x1c: {  	_ =	swait.ge [sflag:s12], $0x1000  }
0x1d: {  	[sflag:s12] =	ssyncset.done $0x0  }
0x1e: {  	s24 =	sadd.s32 s6, s24;
	[sflag:s12] =	ssyncadd.s32 $0xFFFFF000  }
0x1f: {  	[tilespmem:s13], [sflag:$0x3] =	stream.linear.gather [hbm4b:s24+s26], $0x1000, $0x38;
	[tilespmem:$0x1E000] =	vst v63  }
0x20: {  	_ =	swait.ge [sflag:s12], $0x1000  }
0x21: {  	[sflag:s12] =	ssyncset.done $0x0  }
0x22: {  	[sflag:s12] =	ssyncadd.s32 $0xFFFFF000  }
0x23: {  	[tilespmem:s15], [sflag:$0x1] =	stream.indirect.gather [hbm4b:s1+s14], $0x80, s26, s14, $0xb8;
	[tilespmem:$0x1E000] =	vst v63  }
0x24: {  	s28 =	simm.s32 $0x80  }
0x25: {  	[tilespmem:s16], [sflag:$0x2] =	stream.indirect.gather [hbm4b:s1+s14], $0x80, s28, s14, $0xb8;
	[tilespmem:$0x1E000] =	vst v63  }
0x26: {  	_ =	swait.ge [sflag:s17], $0x4000  }
0x27: {  	[sflag:s17] =	ssyncset.done $0x0  }
0x28: {  	s29 =	simm.s32 $0x1000;
	[sflag:s17] =	ssyncadd.s32 $0xFFFFC000  }
0x29: {  	[spmem:s2] =	stream.indirect.scatter.add.f32 [tilespmem:s15], [sflag:$0x3], $0x80, s29, s14, $0xb8;
	[tilespmem:$0x1E000] =	vst v63  }
0x2a: {  	_ =	swait.ge [sflag:s12], $0x4000  }
0x2b: {  	[sflag:s12] =	ssyncset.done $0x0  }
0x2c: {  	s30 =	simm.s32 $0x100;
	[sflag:s12] =	ssyncadd.s32 $0xFFFFC000  }
0x2d: {  	[tilespmem:s15], [sflag:$0x1] =	stream.indirect.gather [hbm4b:s1+s14], $0x80, s30, s14, $0xb8;
	[tilespmem:$0x1E000] =	vst v63  }
0x2e: {  	_ =	swait.ge [sflag:s18], $0x4000  }
0x2f: {  	[sflag:s18] =	ssyncset.done $0x0  }
0x30: {  	s31 =	simm.s32 $0x1080;
	[sflag:s18] =	ssyncadd.s32 $0xFFFFC000  }
0x31: {  	[spmem:s2] =	stream.indirect.scatter.add.f32 [tilespmem:s16], [sflag:$0x3], $0x80, s31, s14, $0xb8;
	[tilespmem:$0x1E000] =	vst v63  }
0x32: {  	_ =	swait.ge [sflag:s12], $0x4000  }
0x33: {  	s25 =	simm.s32 $0x800;
	s24 =	simm.s32 $0x100;
	[sflag:s12] =	ssyncset.done $0x0  }
.LBB2_3:
0x34: {  	s26 =	sadd.s32 $0x80, s24  }
0x35: {  	[sflag:s12] =	ssyncadd.s32 $0xFFFFC000;
	s28 =	smov.u32 s25;
	s29 =	sadd.s32 $0x400, s25  }
0x36: {  	[tilespmem:s16], [sflag:$0x2] =	stream.indirect.gather [hbm4b:s1+s14], $0x80, s26, s14, $0xb8;
	[tilespmem:$0x1E000] =	vst v63  }
0x37: {  	p1 =	sne.s32 s25, $0x3800;
	_ =	swait.ge [sflag:s17], $0x4000  }
0x38: {  	[sflag:s17] =	ssyncset.done $0x0  }
0x39: {  	s25 =	sadd.s32 $0x1000, s24;
	[sflag:s17] =	ssyncadd.s32 $0xFFFFC000  }
0x3a: {  	[spmem:s2] =	stream.indirect.scatter.add.f32 [tilespmem:s15], [sflag:$0x3], $0x80, s25, s14, $0xb8;
	[tilespmem:$0x1E000] =	vst v63  }
0x3b: {  	_ =	swait.ge [sflag:s12], $0x4000  }
0x3c: {  	[sflag:s12] =	ssyncset.done $0x0  }
0x3d: {  	s25 =	sadd.s32 $0x100, s24;
	[sflag:s12] =	ssyncadd.s32 $0xFFFFC000  }
0x3e: {  	[tilespmem:s15], [sflag:$0x1] =	stream.indirect.gather [hbm4b:s1+s14], $0x80, s25, s14, $0xb8;
	[tilespmem:$0x1E000] =	vst v63  }
0x3f: {  	_ =	swait.ge [sflag:s18], $0x4000  }
.Ltmp0:
0x40: {  	[sflag:s18] =	ssyncset.done $0x0;
	(pc) =	sbr.rel @p1 .LBB2_3-.Ltmp0, $4  }
0x41: {  	s24 =	sadd.s32 $0x1080, s24;
	[sflag:s18] =	ssyncadd.s32 $0xFFFFC000  }
0x42: {  	[spmem:s2] =	stream.indirect.scatter.add.f32 [tilespmem:s16], [sflag:$0x3], $0x80, s24, s14, $0xb8;
	[tilespmem:$0x1E000] =	vst v63  }
0x43: {  	_ =	swait.ge [sflag:s12], $0x4000  }
0x44: {  	s25 =	smov.u32 s29;
	s24 =	sshra.s32 s28, $0x2;
	[sflag:s12] =	ssyncset.done $0x0  }
0x45: {  	s25 =	sadd.s32 $0x80, s24;
	[sflag:s12] =	ssyncadd.s32 $0xFFFFC000  }
0x46: {  	[tilespmem:s16], [sflag:$0x2] =	stream.indirect.gather [hbm4b:s1+s14], $0x80, s25, s14, $0xb8;
	[tilespmem:$0x1E000] =	vst v63  }
0x47: {  	_ =	swait.ge [sflag:s17], $0x4000  }
0x48: {  	[sflag:s17] =	ssyncset.done $0x0  }
0x49: {  	s29 =	sadd.s32 $0x1000, s24;
	[sflag:s17] =	ssyncadd.s32 $0xFFFFC000  }
0x4a: {  	[spmem:s2] =	stream.indirect.scatter.add.f32 [tilespmem:s15], [sflag:$0x3], $0x80, s29, s14, $0xb8;
	[tilespmem:$0x1E000] =	vst v63  }
0x4b: {  	_ =	swait.ge [sflag:s12], $0x4000  }
0x4c: {  	[sflag:s12] =	ssyncset.done $0x0  }
0x4d: {  	s30 =	sadd.s32 $0x100, s24;
	[sflag:s12] =	ssyncadd.s32 $0xFFFFC000  }
0x4e: {  	[tilespmem:s15], [sflag:$0x1] =	stream.indirect.gather [hbm4b:s1+s14], $0x80, s30, s14, $0xb8;
	[tilespmem:$0x1E000] =	vst v63  }
0x4f: {  	_ =	swait.ge [sflag:s18], $0x4000  }
0x50: {  	[sflag:s18] =	ssyncset.done $0x0  }
0x51: {  	s31 =	sadd.s32 $0x1080, s24;
	[sflag:s18] =	ssyncadd.s32 $0xFFFFC000  }
0x52: {  	[spmem:s2] =	stream.indirect.scatter.add.f32 [tilespmem:s16], [sflag:$0x3], $0x80, s31, s14, $0xb8;
	[tilespmem:$0x1E000] =	vst v63  }
0x53: {  	_ =	swait.ge [sflag:s12], $0x4000  }
0x54: {  	[sflag:s12] =	ssyncset.done $0x0  }
0x55: {  	[sflag:s12] =	ssyncadd.s32 $0xFFFFC000  }
0x56: {  	[tilespmem:s16], [sflag:$0x2] =	stream.indirect.gather [hbm4b:s1+s14], $0x80, s19, s14, $0xb8;
	[tilespmem:$0x1E000] =	vst v63  }
0x57: {  	_ =	swait.ge [sflag:s17], $0x4000  }
0x58: {  	[sflag:s17] =	ssyncset.done $0x0  }
0x59: {  	[sflag:s17] =	ssyncadd.s32 $0xFFFFC000  }
0x5a: {  	[spmem:s2] =	stream.indirect.scatter.add.f32 [tilespmem:s15], [sflag:$0x3], $0x80, s20, s14, $0xb8;
	[tilespmem:$0x1E000] =	vst v63  }
0x5b: {  	_ =	swait.ge [sflag:s12], $0x4000  }
0x5c: {  	[sflag:s12] =	ssyncset.done $0x0  }
0x5d: {  	[sflag:s12] =	ssyncadd.s32 $0xFFFFC000  }
0x5e: {  	p1 =	slt.u32 @!p0 s23, $0x3;
	_ =	swait.ge [sflag:s18], $0x4000  }
0x5f: {  	p1 =	por p0, !p1;
	[sflag:s18] =	ssyncset.done $0x0  }
.Ltmp1:
0x60: {  	[sflag:s18] =	ssyncadd.s32 $0xFFFFC000;
	(pc) =	sbr.rel @!p1 .LBB2_2-.Ltmp1, $4  }
0x61: {  	[spmem:s2] =	stream.indirect.scatter.add.f32 [tilespmem:s16], [sflag:$0x3], $0x80, s21, s14, $0xb8;
	[tilespmem:$0x1E000] =	vst v63  }
0x62: {  	_ =	swait.ge [sflag:s12], $0x4000  }
0x63: {  	[sflag:s12] =	ssyncset.done $0x0  }
0x64: {  	s23 =	sadd.s32 $0x1, s23;
	[sflag:s12] =	ssyncadd.s32 $0xFFFFC000  }
0x65: {  	s3 =	sadd.s32 $0x1, s3  }
0x66: {  	p1 =	sne.s32 s3, s10  }
.Ltmp2:
0x67: {  	[bflag:$0x0] =	sbarrier.arrive $0xFFFF;
	(pc) =	sbr.rel @p1 .LBB2_1-.Ltmp2, $4  }
0x68: {  	[hbm:s22], [sflag:s9] =	dma.local [spmem:s11], $0x2800  }
0x69: {  	_ =	swait.ge [sflag:s12], $0x2800  }
0x6a: {  	[sflag:s12] =	ssyncset.done $0x0  }
0x6b: {  	[sflag:s12] =	ssyncadd.s32 $0xFFFFD800  }
0x6c: {  	_ =	sfence.sel $0x180000  }
0x6d: {  	[bflag:$0x0] =	sbarrier.arrive $0xFFFF  }
0x6e: {  	p0 =	sne.s32 s4, $0x0;
	_ =	strace $0x9000004D  }
0x6f: {  	s0 =	sadd.s32 @!p0 $0x100000, s0;
	[bflag:$0x2] =	sbarrier.arrive $0xFFFF  }
0x70: {  	[sflag:s0] =	ssyncadd.tile.s32 @!p0 $0x1;
	_ =	shalt  }
.Lfunc_end2:
_tile_overlayer_lowered:
.L_overlay_start_2:
0x71: {  	(tag) =	ssettag $0x2  }
0x72: {  	s0 =	rddreg [dreg:$0x0];
	s2 =	stileid.u32  }
0x73: {  	s1 =	rddreg [dreg:$0x1];
	p0 =	sne.s32 s2, $0x0  }
0x74: {  	s3 =	rddreg [dreg:$0x2];
	[bflag:$0x3] =	sbarrier.arrive $0xFFFF;
	s2 =	simm.s32 @!p0 $0x1C03  }
0x75: {  	[timem:s3], [sflag:s2] =	dma.local @!p0 [hbm:s0], s1  }
0x76: {  	s0 =	simm.s32 @!p0 $0x3  }
0x77: {  	_ =	swait.ge @!p0 [sflag:s0], s1  }
0x78: {  	s1 =	ssub.s32 @!p0 $0x0, s1;
	[sflag:s0] =	ssyncset.done @!p0 $0x0  }
0x79: {  	[sflag:s0] =	ssyncadd.s32 @!p0 s1  }
0x7a: {  	[bflag:$0x3] =	sbarrier.arrive $0xFFFF  }
0x7b: {  	_ =	shalt  }

// kernel: kernel.9.cloned.1.call-start
scs
__scs_entry_jumppad:
0x0: {  	(pc) =	sbr.rel $0x88, $3  }
0x1: {  	(tag) =	ssettag $0x0;
	lr =	simm.s32 $0x1  }
0x2: {  	[smem:$0x3F94] =	sst lr;
	_ =	strace $0xD0000000  }
0x3: {  	_ = 	snop  }
0x4: {  	_ = 	snop  }
0x5: {  	_ = 	snop  }
0x6: {  	_ = 	snop  }
0x7: {  	_ = 	snop  }
__scs_overlays_trampoline_lowered:
0x8: {  	[smem:$0x3FA3] =	sst s0  }
0x9: {  	[smem:$0x3FA4] =	sst s1  }
0xa: {  	[smem:$0x3FA5] =	sst s2  }
0xb: {  	[smem:$0x3FA6] =	sst s3  }
0xc: {  	[smem:$0x3FA7] =	sst s4  }
0xd: {  	[smem:$0x3FA8] =	sst s5  }
0xe: {  	[smem:$0x3FA9] =	sst s6  }
0xf: {  	[smem:$0x3FAA] =	sst s7  }
0x10: {  	[smem:$0x3FAB] =	sst s8  }
0x11: {  	[smem:$0x3FAC] =	sst s9;
	s0 =	simm.s32 @!p0 $0x0  }
0x12: {  	s1 =	sld [smem:$0x3F92];
	s0 =	simm.s32 @p0 $0x1  }
0x13: {  	[smem:$0x3FAD] =	sst s0;
	s0 =	simm.s32 @!p1 $0x0  }
0x14: {  	s2 =	sld [smem:$0x3F91];
	s0 =	simm.s32 @p1 $0x1  }
0x15: {  	[smem:$0x3FAE] =	sst s0;
	s0 =	simm.s32 @!p2 $0x0  }
0x16: {  	s3 =	sld [smem:$0x3FDB];
	s0 =	simm.s32 @p2 $0x1  }
0x17: {  	s4 =	simm.s32 $0x1BF5;
	[smem:$0x3FB0] =	sst s0  }
0x18: {  	s0 =	sld [smem:$0x3F93];
	_ =	swait.ge [sflag:s4], $0x0  }
0x19: {  	s7 =	sld [smem:$0x3F94]  }
0x1a: {  	s8 =	sadd.s32 $0xFFFFE003, lr  }
0x1b: {  	s9 =	sadd.s32 $0xFFFFFEF7, lr;
	s5 =	simm.s32 $0xFFFFFFFF;
	p2 =	slt.u32 s8, $0xFFFFF086  }
0x1c: {  	p1 =	slt.u32 s9, $0xF7A;
	s5 =	simm.s32 @!p2 $0x0  }
0x1d: {  	s5 =	simm.s32 @p1 $0x1;
	p0 =	seq.s32 s7, s2  }
0x1e: {  	s7 =	smul.u32 @!p0 $0xF7A, s2;
	p2 =	seq.s32 @!p0 s5, $0x0  }
0x1f: {  	s9 =	smul.u32 $0xF7A, s1;
	s8 =	simm.s32 @!p0 $0x1BF5;
	p2 =	por !p2, p0  }
0x20: {  	[sflag:s8] =	ssyncset.s32 @!p0 $0xFFFFF086;
	s6 =	sadd.s32 @!p0 s3, s7;
	s7 =	simm.s32 @!p0 $0x108  }
0x21: {  	s3 =	sadd.s32 s3, s9;
	s6 =	sadd.s32 @!p0 $0x88, s6;
	s7 =	simm.s32 @p2 $0x1082  }
0x22: {  	[simem:s7], [sflag:s8] =	dma.local @!p0 [hbm:s6], $0xF7A  }
0x23: {  	s9 =	sor.u32 $0xD0000000, s2;
	s6 =	simm.s32 $0x108;
	_ =	swait.ge @!p0 [sflag:s8], $0x0  }
0x24: {  	s3 =	sadd.s32 $0x88, s3;
	s6 =	simm.s32 @!p1 $0x1082;
	[sflag:s4] =	ssyncset.s32 $0xFFFFF086  }
0x25: {  	[simem:s6], [sflag:s4] =	dma.local [hbm:s3], $0xF7A  }
0x26: {  	[smem:$0x3F94] =	sst s1;
	(tag) =	ssettag s2;
	_ =	strace s9  }
0x27: {  	s1 =	sld [smem:$0x3FA4]  }
0x28: {  	s2 =	sld [smem:$0x3FA5]  }
0x29: {  	s4 =	sld [smem:$0x3FA7]  }
0x2a: {  	p0 =	seq.s32 s5, $0x0;
	s5 =	sld [smem:$0x3FA8]  }
0x2b: {  	s6 =	sld [smem:$0x3FA9]  }
0x2c: {  	s7 =	sld [smem:$0x3FAA]  }
0x2d: {  	s3 =	simm.s32 $0x108;
	s8 =	sld [smem:$0x3FAB]  }
0x2e: {  	s3 =	simm.s32 @!p0 $0x1082;
	s9 =	sld [smem:$0x3FAC]  }
0x2f: {  	lr =	sadd.s32 s0, s3;
	s0 =	sld [smem:$0x3FA3]  }
0x30: {  	s3 =	sld [smem:$0x3FA6]  }
0x31: {  	[smem:$0x3FAF] =	sst s10  }
0x32: {  	s10 =	sld [smem:$0x3FAD];
	_ =	sdelay $0x3  }
0x33: {  	p0 =	seq.s32 s10, $0x1;
	s10 =	sld [smem:$0x3FAF];
	_ =	sdelay $0x3  }
0x34: {  	[smem:$0x3FAF] =	sst s10  }
0x35: {  	s10 =	sld [smem:$0x3FAE];
	_ =	sdelay $0x3  }
0x36: {  	p1 =	seq.s32 s10, $0x1;
	s10 =	sld [smem:$0x3FAF];
	_ =	sdelay $0x3  }
0x37: {  	[smem:$0x3FAF] =	sst s10  }
0x38: {  	s10 =	sld [smem:$0x3FB0]  }
0x39: {  	_ = 	snop;
	(pc) =	sbr.ind lr, $3  }
0x3a: {  	_ = 	snop  }
0x3b: {  	_ = 	snop  }
0x3c: {  	p2 =	seq.s32 s10, $0x1;
	s10 =	sld [smem:$0x3FAF]  }
0x3d: {  	_ =	shalt  }
0x3e: {  	_ =	shalt  }
0x3f: {  	_ =	shalt  }
0x40: {  	_ =	shalt  }
0x41: {  	_ =	shalt  }
0x42: {  	_ =	shalt  }
0x43: {  	_ =	shalt  }
0x44: {  	_ =	shalt  }
0x45: {  	_ =	shalt  }
0x46: {  	_ =	shalt  }
0x47: {  	_ =	shalt  }
0x48: {  	_ =	shalt  }
0x49: {  	_ =	shalt  }
0x4a: {  	_ =	shalt  }
0x4b: {  	_ =	shalt  }
0x4c: {  	_ =	shalt  }
0x4d: {  	_ =	shalt  }
0x4e: {  	_ =	shalt  }
0x4f: {  	_ =	shalt  }
0x50: {  	_ =	shalt  }
0x51: {  	_ =	shalt  }
0x52: {  	_ =	shalt  }
0x53: {  	_ =	shalt  }
0x54: {  	_ =	shalt  }
0x55: {  	_ =	shalt  }
0x56: {  	_ =	shalt  }
0x57: {  	_ =	shalt  }
0x58: {  	_ =	shalt  }
0x59: {  	_ =	shalt  }
0x5a: {  	_ =	shalt  }
0x5b: {  	_ =	shalt  }
0x5c: {  	_ =	shalt  }
0x5d: {  	_ =	shalt  }
0x5e: {  	_ =	shalt  }
0x5f: {  	_ =	shalt  }
0x60: {  	_ =	shalt  }
0x61: {  	_ =	shalt  }
0x62: {  	_ =	shalt  }
0x63: {  	_ =	shalt  }
0x64: {  	_ =	shalt  }
0x65: {  	_ =	shalt  }
0x66: {  	_ =	shalt  }
0x67: {  	_ =	shalt  }
0x68: {  	_ =	shalt  }
0x69: {  	_ =	shalt  }
0x6a: {  	_ =	shalt  }
0x6b: {  	_ =	shalt  }
0x6c: {  	_ =	shalt  }
0x6d: {  	_ =	shalt  }
0x6e: {  	_ =	shalt  }
0x6f: {  	_ =	shalt  }
0x70: {  	_ =	shalt  }
0x71: {  	_ =	shalt  }
0x72: {  	_ =	shalt  }
0x73: {  	_ =	shalt  }
0x74: {  	_ =	shalt  }
0x75: {  	_ =	shalt  }
0x76: {  	_ =	shalt  }
0x77: {  	_ =	shalt  }
0x78: {  	_ =	shalt  }
0x79: {  	_ =	shalt  }
0x7a: {  	_ =	shalt  }
0x7b: {  	_ =	shalt  }
0x7c: {  	_ =	shalt  }
0x7d: {  	_ =	shalt  }
0x7e: {  	_ =	shalt  }
0x7f: {  	_ =	shalt  }
0x80: {  	_ =	shalt  }
0x81: {  	_ =	shalt  }
0x82: {  	_ =	shalt  }
0x83: {  	_ =	shalt  }
0x84: {  	_ =	shalt  }
0x85: {  	_ =	shalt  }
0x86: {  	_ =	shalt  }
0x87: {  	_ =	shalt  }
.Lfunc_end0:
.L_simem_size_0:
called_computation_lowered:
.L_overlay_start_0:
0x88: {  	s2 =	sld [smem:$0x3FD9]  }
0x89: {  	s3 =	sld [smem:$0x3FFE];
	_ =	sdelay $0x1  }
0x8a: {  	s1 =	srdreg.scid  }
0x8b: {  	s0 =	sand.u32 $0x1, s1  }
0x8c: {  	s17 =	sshll.u32 s0, $0xA;
	s2 =	sadd.s32 s3, s2  }
0x8d: {  	s2 =	sadd.s32 s2, s17  }
0x8e: {  	[smem:$0x3FBB] =	sst s2  }
0x8f: {  	_ = 	snop  }
0x90: {  	s2 =	sld [smem:$0x3FD0];
	(tm) =	ssettm $0x1  }
0x91: {  	s18 =	sld [smem:$0x3FFB];
	_ =	sdelay $0x3  }
0x92: {  	_ =	strace s18  }
0x93: {  	s3 =	sld [smem:$0x3FFC];
	_ =	sdelay $0x3  }
0x94: {  	_ =	strace s3  }
0x95: {  	s3 =	sld [smem:$0x3FFD];
	_ =	sdelay $0x3  }
0x96: {  	_ =	strace s3  }
0x97: {  	_ =	strace $0x8FFFFFFF  }
0x98: {  	s19 =	sld [smem:$0x3FDB];
	_ =	sdelay $0x1  }
0x99: {  	s4 =	simm.s32 $_scs_section_size  }
0x9a: {  	s5 =	simm.s32 $_size__tile_overlayer_lowered;
	s6 =	simm.s32 $_tile_overlayer_lowered  }
0x9b: {  	s22 =	simm.s32 $0x1BFF;
	s21 =	sshll.u32 s6, $0x1;
	s3 =	sadd.s32 s4, s19  }
0x9c: {  	s7 =	simm.s32 $0x0;
	s20 =	sshll.u32 s5, $0x1;
	s5 =	sadd.s32 s21, s3  }
0x9d: {  	[timem:s7], [sflag:s22] =	dma.local [hbm:s5], s20  }
0x9e: {  	_ =	swait.ge [sflag:s22], s20  }
0x9f: {  	s4 =	ssub.s32 $0x0, s20;
	[sflag:s22] =	ssyncset.done $0x0  }
0xa0: {  	[sflag:s22] =	ssyncadd.s32 s4;
	_ =	sdelay $0x1  }
0xa1: {  	s23 =	simm.s32 $0x1B8B  }
0xa2: {  	_ =	swait.ge [sflag:s23], $0x1  }
0xa3: {  	[sflag:s23] =	ssyncset.done $0x0  }
0xa4: {  	s25 =	simm.s32 $0x1B8E;
	s24 =	sld [smem:$0x3FFE];
	[sflag:s23] =	ssyncadd.s32 $0xFFFFFFFF  }
0xa5: {  	s26 =	simm.s32 $execute0_lowered;
	[smem:$0x3FD2] =	sst s25  }
0xa6: {  	s5 =	sshll.u32 s26, $0x1;
	_ =	strace $0x80000046;
	[dreg:$0x1] =	wrdreg $0xFFFFFFFF  }
0xa7: {  	s28 =	simm.s32 $_size_execute0_lowered;
	s3 =	sadd.s32 s3, s5;
	[dreg:$0x0] =	wrdreg $0x0  }
0xa8: {  	s5 =	sshll.u32 s28, $0x1;
	[dreg:$0x2] =	wrdreg s3  }
0xa9: {  	[dreg:$0x3] =	wrdreg s5  }
0xaa: {  	[dreg:$0x4] =	wrdreg $0xC0  }
0xab: {  	_ =	task [dreg:s7], $0x5FFFF  }
0xac: {  	[dreg:$0x1] =	wrdreg $0xFFFFFFFF  }
0xad: {  	[dreg:$0x0] =	wrdreg $0x60  }
0xae: {  	[dreg:$0x2] =	wrdreg s24  }
0xaf: {  	[dreg:$0x3] =	wrdreg s2  }
0xb0: {  	[dreg:$0x4] =	wrdreg $0xA0000  }
0xb1: {  	[dreg:$0x5] =	wrdreg $0x9  }
0xb2: {  	_ =	task.clear_ibuf [dreg:s7], $0x6FFFF;
	_ =	strace $0x90000046  }
0xb3: {  	s29 =	simm.s32 $0x9;
	_ =	strace $0x80000048  }
0xb4: {  	_ =	swait.ge [sflag:s29], $0x1  }
0xb5: {  	[sflag:s29] =	ssyncadd.s32 $0xFFFFFFFF  }
0xb6: {  	_ =	strace $0x90000048  }
0xb7: {  	_ =	sfence  }
0xb8: {  	s30 =	sld [smem:$0x0];
	_ =	sdelay $0x2  }
0xb9: {  	s31 =	sshll.u32 s1, $0xD;
	s1 =	sshrl.u32 s1, $0x2  }
0xba: {  	s3 =	sand.u32 $0x4000, s31;
	s1 =	sadd.s32 s1, s30  }
0xbb: {  	s0 =	sor.u32 s3, s0;
	s1 =	sshll.u32 s1, $0x11  }
0xbc: {  	s0 =	sor.u32 s1, s0  }
0xbd: {  	s0 =	sadd.s32 $0x8F2B, s0  }
0xbe: {  	[sflag:s0] =	ssyncadd.remote.s32 $0x1  }
0xbf: {  	_ =	sfence.sel $0xFFFF  }
0xc0: {  	[dreg:$0x0] =	wrdreg $0xFFFFFFFF;
	(pc) =	sbr.abs _section_cstart, $3  }
0xc1: {  	[dreg:$0x1] =	wrdreg $0xFFFFFFFF  }
0xc2: {  	_ =	task.clear_ibuf [dreg:s7], $0x2FFFF;
	_ =	strace $0x9FFFFFFF  }
0xc3: {  	(tm) =	ssettm $0x7FFFFFFF  }
tec
execute0_lowered:
.L_overlay_start_1:
0x0: {  	(tag) =	ssettag $0x1  }
0x1: {  	s8 =	rddreg [dreg:$0x0]  }
0x2: {  	s1 =	rddreg [dreg:$0x1]  }
0x3: {  	s2 =	rddreg [dreg:$0x2]  }
0x4: {  	s0 =	rddreg [dreg:$0x3];
	s3 =	simm.s32 $0x0  }
0x5: {  	s4 =	srdreg.scid;
	s14 =	simm.s32 $0x80;
	s15 =	simm.s32 $0x2000  }
0x6: {  	s16 =	simm.s32 $0x6000;
	s17 =	simm.s32 $0x1;
	s18 =	simm.s32 $0x2  }
0x7: {  	s20 =	simm.s32 $0x1F00;
	s21 =	simm.s32 $0x1F80;
	[smem:$0x7FF] =	sst s3  }
0x8: {  	s19 =	sand.u32 $0x1, s4;
	s4 =	stileid.u32;
	s5 =	sadd.s32 $0xD000, s8  }
0x9: {  	s6 =	sadd.s32 $0x3000, s8;
	s7 =	sadd.s32 $0x17000, s8;
	s9 =	smul.u32 $0x28000, s19  }
0xa: {  	_ =	strace $0x80000047;
	s10 =	ssub.s32 $0x2, s19;
	s11 =	smul.u32 $0x50000, s4  }
0xb: {  	s30 =	sshll.u32 s4, $0x6;
	s31 =	sshll.u32 s4, $0xC;
	p0 =	seq.s32 s19, $0x0  }
0xc: {  	s23 =	smul.u32 $0x2800, s4;
	s12 =	sshrl.u32 s10, $0x1;
	s13 =	sadd.s32 s9, s8  }
0xd: {  	s10 =	ssub.s32 s10, s12;
	s29 =	sshrl.u32 s11, $0x2;
	s12 =	sshll.u32 s4, $0xE  }
0xe: {  	s8 =	sor.u32 $0x40000, s31;
	s9 =	sor.u32 $0x1C03, s30;
	s11 =	sadd.s32 s29, s2  }
0xf: {  	s8 =	smov.u32 @p0 s12;
	s22 =	sadd.s32 $0x19800, s13;
	s10 =	smax.u32 s10, $0x1  }
0x10: {  	s12 =	simm.s32 $0x3;
	s13 =	simm.s32 $0x1000;
	p0 =	sne.s32 s19, $0x0  }
0x11: {  	s19 =	simm.s32 $0xF80;
	s11 =	sshrl.u32 s11, $0x3;
	s22 =	sadd.s32 s23, s22  }
.LBB2_1:
0x12: {  	[spmem:s11], [sflag:s9] =	dma.local [hbm:s7], $0x2800  }
0x13: {  	_ =	swait.ge [sflag:s12], $0x2800  }
0x14: {  	[sflag:s12] =	ssyncset.done $0x0  }
0x15: {  	[sflag:s12] =	ssyncadd.s32 $0xFFFFD800  }
0x16: {  	s23 =	simm.s32 $0x0;
	[bflag:$0x0] =	sbarrier.arrive $0xFFFF  }
.LBB2_2:
0x17: {  	s24 =	sshll.u32 s23, $0xC  }
0x18: {  	s24 =	sadd.s32 s8, s24  }
0x19: {  	s24 =	sshrl.u32 s24, $0x3  }
0x1a: {  	s26 =	simm.s32 $0x0;
	s25 =	sadd.s32 s5, s24  }
0x1b: {  	[tilespmem:s26], [sflag:$0x3] =	stream.linear.gather [hbm4b:s25+s26], $0x1000, $0x38;
	[tilespmem:$0x1E000] =	vst v63  }
0x1c: {  	_ =	swait.ge [sflag:s12], $0x1000  }
0x1d: {  	[sflag:s12] =	ssyncset.done $0x0  }
0x1e: {  	s24 =	sadd.s32 s6, s24;
	[sflag:s12] =	ssyncadd.s32 $0xFFFFF000  }
0x1f: {  	[tilespmem:s13], [sflag:$0x3] =	stream.linear.gather [hbm4b:s24+s26], $0x1000, $0x38;
	[tilespmem:$0x1E000] =	vst v63  }
0x20: {  	_ =	swait.ge [sflag:s12], $0x1000  }
0x21: {  	[sflag:s12] =	ssyncset.done $0x0  }
0x22: {  	[sflag:s12] =	ssyncadd.s32 $0xFFFFF000  }
0x23: {  	[tilespmem:s15], [sflag:$0x1] =	stream.indirect.gather [hbm4b:s1+s14], $0x80, s26, s14, $0xb8;
	[tilespmem:$0x1E000] =	vst v63  }
0x24: {  	s28 =	simm.s32 $0x80  }
0x25: {  	[tilespmem:s16], [sflag:$0x2] =	stream.indirect.gather [hbm4b:s1+s14], $0x80, s28, s14, $0xb8;
	[tilespmem:$0x1E000] =	vst v63  }
0x26: {  	_ =	swait.ge [sflag:s17], $0x4000  }
0x27: {  	[sflag:s17] =	ssyncset.done $0x0  }
0x28: {  	s29 =	simm.s32 $0x1000;
	[sflag:s17] =	ssyncadd.s32 $0xFFFFC000  }
0x29: {  	[spmem:s2] =	stream.indirect.scatter.add.f32 [tilespmem:s15], [sflag:$0x3], $0x80, s29, s14, $0xb8;
	[tilespmem:$0x1E000] =	vst v63  }
0x2a: {  	_ =	swait.ge [sflag:s12], $0x4000  }
0x2b: {  	[sflag:s12] =	ssyncset.done $0x0  }
0x2c: {  	s30 =	simm.s32 $0x100;
	[sflag:s12] =	ssyncadd.s32 $0xFFFFC000  }
0x2d: {  	[tilespmem:s15], [sflag:$0x1] =	stream.indirect.gather [hbm4b:s1+s14], $0x80, s30, s14, $0xb8;
	[tilespmem:$0x1E000] =	vst v63  }
0x2e: {  	_ =	swait.ge [sflag:s18], $0x4000  }
0x2f: {  	[sflag:s18] =	ssyncset.done $0x0  }
0x30: {  	s31 =	simm.s32 $0x1080;
	[sflag:s18] =	ssyncadd.s32 $0xFFFFC000  }
0x31: {  	[spmem:s2] =	stream.indirect.scatter.add.f32 [tilespmem:s16], [sflag:$0x3], $0x80, s31, s14, $0xb8;
	[tilespmem:$0x1E000] =	vst v63  }
0x32: {  	_ =	swait.ge [sflag:s12], $0x4000  }
0x33: {  	s25 =	simm.s32 $0x800;
	s24 =	simm.s32 $0x100;
	[sflag:s12] =	ssyncset.done $0x0  }
.LBB2_3:
0x34: {  	s26 =	sadd.s32 $0x80, s24  }
0x35: {  	[sflag:s12] =	ssyncadd.s32 $0xFFFFC000;
	s28 =	smov.u32 s25;
	s29 =	sadd.s32 $0x400, s25  }
0x36: {  	[tilespmem:s16], [sflag:$0x2] =	stream.indirect.gather [hbm4b:s1+s14], $0x80, s26, s14, $0xb8;
	[tilespmem:$0x1E000] =	vst v63  }
0x37: {  	p1 =	sne.s32 s25, $0x3800;
	_ =	swait.ge [sflag:s17], $0x4000  }
0x38: {  	[sflag:s17] =	ssyncset.done $0x0  }
0x39: {  	s25 =	sadd.s32 $0x1000, s24;
	[sflag:s17] =	ssyncadd.s32 $0xFFFFC000  }
0x3a: {  	[spmem:s2] =	stream.indirect.scatter.add.f32 [tilespmem:s15], [sflag:$0x3], $0x80, s25, s14, $0xb8;
	[tilespmem:$0x1E000] =	vst v63  }
0x3b: {  	_ =	swait.ge [sflag:s12], $0x4000  }
0x3c: {  	[sflag:s12] =	ssyncset.done $0x0  }
0x3d: {  	s25 =	sadd.s32 $0x100, s24;
	[sflag:s12] =	ssyncadd.s32 $0xFFFFC000  }
0x3e: {  	[tilespmem:s15], [sflag:$0x1] =	stream.indirect.gather [hbm4b:s1+s14], $0x80, s25, s14, $0xb8;
	[tilespmem:$0x1E000] =	vst v63  }
0x3f: {  	_ =	swait.ge [sflag:s18], $0x4000  }
.Ltmp0:
0x40: {  	[sflag:s18] =	ssyncset.done $0x0;
	(pc) =	sbr.rel @p1 .LBB2_3-.Ltmp0, $4  }
0x41: {  	s24 =	sadd.s32 $0x1080, s24;
	[sflag:s18] =	ssyncadd.s32 $0xFFFFC000  }
0x42: {  	[spmem:s2] =	stream.indirect.scatter.add.f32 [tilespmem:s16], [sflag:$0x3], $0x80, s24, s14, $0xb8;
	[tilespmem:$0x1E000] =	vst v63  }
0x43: {  	_ =	swait.ge [sflag:s12], $0x4000  }
0x44: {  	s25 =	smov.u32 s29;
	s24 =	sshra.s32 s28, $0x2;
	[sflag:s12] =	ssyncset.done $0x0  }
0x45: {  	s25 =	sadd.s32 $0x80, s24;
	[sflag:s12] =	ssyncadd.s32 $0xFFFFC000  }
0x46: {  	[tilespmem:s16], [sflag:$0x2] =	stream.indirect.gather [hbm4b:s1+s14], $0x80, s25, s14, $0xb8;
	[tilespmem:$0x1E000] =	vst v63  }
0x47: {  	_ =	swait.ge [sflag:s17], $0x4000  }
0x48: {  	[sflag:s17] =	ssyncset.done $0x0  }
0x49: {  	s29 =	sadd.s32 $0x1000, s24;
	[sflag:s17] =	ssyncadd.s32 $0xFFFFC000  }
0x4a: {  	[spmem:s2] =	stream.indirect.scatter.add.f32 [tilespmem:s15], [sflag:$0x3], $0x80, s29, s14, $0xb8;
	[tilespmem:$0x1E000] =	vst v63  }
0x4b: {  	_ =	swait.ge [sflag:s12], $0x4000  }
0x4c: {  	[sflag:s12] =	ssyncset.done $0x0  }
0x4d: {  	s30 =	sadd.s32 $0x100, s24;
	[sflag:s12] =	ssyncadd.s32 $0xFFFFC000  }
0x4e: {  	[tilespmem:s15], [sflag:$0x1] =	stream.indirect.gather [hbm4b:s1+s14], $0x80, s30, s14, $0xb8;
	[tilespmem:$0x1E000] =	vst v63  }
0x4f: {  	_ =	swait.ge [sflag:s18], $0x4000  }
0x50: {  	[sflag:s18] =	ssyncset.done $0x0  }
0x51: {  	s31 =	sadd.s32 $0x1080, s24;
	[sflag:s18] =	ssyncadd.s32 $0xFFFFC000  }
0x52: {  	[spmem:s2] =	stream.indirect.scatter.add.f32 [tilespmem:s16], [sflag:$0x3], $0x80, s31, s14, $0xb8;
	[tilespmem:$0x1E000] =	vst v63  }
0x53: {  	_ =	swait.ge [sflag:s12], $0x4000  }
0x54: {  	[sflag:s12] =	ssyncset.done $0x0  }
0x55: {  	[sflag:s12] =	ssyncadd.s32 $0xFFFFC000  }
0x56: {  	[tilespmem:s16], [sflag:$0x2] =	stream.indirect.gather [hbm4b:s1+s14], $0x80, s19, s14, $0xb8;
	[tilespmem:$0x1E000] =	vst v63  }
0x57: {  	_ =	swait.ge [sflag:s17], $0x4000  }
0x58: {  	[sflag:s17] =	ssyncset.done $0x0  }
0x59: {  	[sflag:s17] =	ssyncadd.s32 $0xFFFFC000  }
0x5a: {  	[spmem:s2] =	stream.indirect.scatter.add.f32 [tilespmem:s15], [sflag:$0x3], $0x80, s20, s14, $0xb8;
	[tilespmem:$0x1E000] =	vst v63  }
0x5b: {  	_ =	swait.ge [sflag:s12], $0x4000  }
0x5c: {  	[sflag:s12] =	ssyncset.done $0x0  }
0x5d: {  	[sflag:s12] =	ssyncadd.s32 $0xFFFFC000  }
0x5e: {  	p1 =	slt.u32 @!p0 s23, $0x3;
	_ =	swait.ge [sflag:s18], $0x4000  }
0x5f: {  	p1 =	por p0, !p1;
	[sflag:s18] =	ssyncset.done $0x0  }
.Ltmp1:
0x60: {  	[sflag:s18] =	ssyncadd.s32 $0xFFFFC000;
	(pc) =	sbr.rel @!p1 .LBB2_2-.Ltmp1, $4  }
0x61: {  	[spmem:s2] =	stream.indirect.scatter.add.f32 [tilespmem:s16], [sflag:$0x3], $0x80, s21, s14, $0xb8;
	[tilespmem:$0x1E000] =	vst v63  }
0x62: {  	_ =	swait.ge [sflag:s12], $0x4000  }
0x63: {  	[sflag:s12] =	ssyncset.done $0x0  }
0x64: {  	s23 =	sadd.s32 $0x1, s23;
	[sflag:s12] =	ssyncadd.s32 $0xFFFFC000  }
0x65: {  	s3 =	sadd.s32 $0x1, s3  }
0x66: {  	p1 =	sne.s32 s3, s10  }
.Ltmp2:
0x67: {  	[bflag:$0x0] =	sbarrier.arrive $0xFFFF;
	(pc) =	sbr.rel @p1 .LBB2_1-.Ltmp2, $4  }
0x68: {  	[hbm:s22], [sflag:s9] =	dma.local [spmem:s11], $0x2800  }
0x69: {  	_ =	swait.ge [sflag:s12], $0x2800  }
0x6a: {  	[sflag:s12] =	ssyncset.done $0x0  }
0x6b: {  	[sflag:s12] =	ssyncadd.s32 $0xFFFFD800  }
0x6c: {  	_ =	sfence.sel $0x180000  }
0x6d: {  	[bflag:$0x0] =	sbarrier.arrive $0xFFFF  }
0x6e: {  	p0 =	sne.s32 s4, $0x0;
	_ =	strace $0x90000047  }
0x6f: {  	s0 =	sadd.s32 @!p0 $0x100000, s0;
	[bflag:$0x2] =	sbarrier.arrive $0xFFFF  }
0x70: {  	[sflag:s0] =	ssyncadd.tile.s32 @!p0 $0x1;
	_ =	shalt  }
.Lfunc_end2:
_tile_overlayer_lowered:
.L_overlay_start_2:
0x71: {  	(tag) =	ssettag $0x2  }
0x72: {  	s0 =	rddreg [dreg:$0x0];
	s2 =	stileid.u32  }
0x73: {  	s1 =	rddreg [dreg:$0x1];
	p0 =	sne.s32 s2, $0x0  }
0x74: {  	s3 =	rddreg [dreg:$0x2];
	[bflag:$0x3] =	sbarrier.arrive $0xFFFF;
	s2 =	simm.s32 @!p0 $0x1C03  }
0x75: {  	[timem:s3], [sflag:s2] =	dma.local @!p0 [hbm:s0], s1  }
0x76: {  	s0 =	simm.s32 @!p0 $0x3  }
0x77: {  	_ =	swait.ge @!p0 [sflag:s0], s1  }
0x78: {  	s1 =	ssub.s32 @!p0 $0x0, s1;
	[sflag:s0] =	ssyncset.done @!p0 $0x0  }
0x79: {  	[sflag:s0] =	ssyncadd.s32 @!p0 s1  }
0x7a: {  	[bflag:$0x3] =	sbarrier.arrive $0xFFFF  }
0x7b: {  	_ =	shalt  }

</sc_bundles>
